<compile_context>
chip_gen: v7x
topology: tpu7x:2x2x1
jax: 0.10.2.dev20260603
libtpu: 0.0.44.dev20260713+nightly
codegen_flags: <defaults>
</compile_context>

<pallas_src>
import functools

import jax
import jax.numpy as jnp
from jax import lax
from jax.experimental import pallas as pl
from jax.experimental.pallas import tpu as pltpu
from jax.experimental.pallas import tpu_sc as plsc

D = 64
V = 1024

_SCORE_PREC = lax.Precision.DEFAULT
_MM_PREC = lax.Precision.DEFAULT


_CHL = 128


def _argmin_body(ng, w_ref, rs_ref, cbt_ref, idx_ref):
    x = w_ref[...] / rs_ref[...]
    cbt = cbt_ref[...]
    c2h = 0.5 * jnp.sum(cbt * cbt, axis=0, keepdims=True)
    h1 = c2h.astype(jnp.bfloat16).astype(jnp.float32)
    h2 = (c2h - h1).astype(jnp.bfloat16).astype(jnp.float32)
    h3 = c2h - h1 - h2
    cbt_aug = jnp.concatenate([cbt, h1, h2, h3], axis=0)
    br = x.shape[0]
    ones3 = jnp.full((br, 3), -1.0, jnp.float32)
    iota = lax.broadcasted_iota(jnp.int32, (br, V), 1).astype(jnp.float32)
    cols = []
    for g in range(ng):
        xg = jnp.concatenate([x[:, D * g:D * (g + 1)], ones3], axis=1)
        t = lax.dot_general(xg, cbt_aug, (((1,), (0,)), ((), ())),
                            precision=_SCORE_PREC)
        m = jnp.max(t, axis=1, keepdims=True)
        first = jnp.min(jnp.where(t == m, iota, jnp.float32(V)), axis=1)
        cols.append(first.astype(jnp.int32))
    idx_ref[...] = jnp.stack(cols, axis=1)


def _argmin_gather_body(ng, w_ref, rs_ref, cbt_ref, q_ref):
    x = w_ref[...] / rs_ref[...]
    cbt = cbt_ref[...]
    c2h = 0.5 * jnp.sum(cbt * cbt, axis=0, keepdims=True)
    br = x.shape[0]
    iota = lax.broadcasted_iota(jnp.int32, (br, V), 1).astype(jnp.float32)
    qs = []
    for g in range(ng):
        xg = x[:, D * g:D * (g + 1)]
        gmat = lax.dot_general(xg, cbt, (((1,), (0,)), ((), ())),
                               precision=_SCORE_PREC)
        t = c2h - gmat
        m = jnp.min(t, axis=1, keepdims=True)
        first = jnp.min(jnp.where(t == m, iota, jnp.float32(V)), axis=1,
                        keepdims=True)
        oh = (iota == first).astype(jnp.float32)
        qs.append(lax.dot_general(oh, cbt, (((1,), (1,)), ((), ())),
                                  precision=_MM_PREC))
    q_ref[...] = jnp.concatenate(qs, axis=1)


def _pq_argmin_gather(w, rs, cbt, block_rows):
    n, width = w.shape
    ng = width // D
    grid = (n // block_rows,)
    return pl.pallas_call(
        functools.partial(_argmin_gather_body, ng),
        grid=grid,
        in_specs=[
            pl.BlockSpec((block_rows, width), lambda i: (i, 0)),
            pl.BlockSpec((block_rows, 1), lambda i: (i, 0)),
            pl.BlockSpec((D, V), lambda i: (0, 0)),
        ],
        out_specs=pl.BlockSpec((block_rows, width), lambda i: (i, 0)),
        out_shape=jax.ShapeDtypeStruct((n, width), jnp.float32),
    )(w, rs, cbt)


def _pq_argmin(w, rs, cbt, block_rows, row_lo=0, row_hi=None):
    n, width = w.shape
    row_hi = n if row_hi is None else row_hi
    ng = width // D
    nrows = row_hi - row_lo
    off = row_lo // block_rows
    grid = (nrows // block_rows,)
    return pl.pallas_call(
        functools.partial(_argmin_body, ng),
        grid=grid,
        in_specs=[
            pl.BlockSpec((block_rows, width), lambda i: (i + off, 0)),
            pl.BlockSpec((block_rows, 1), lambda i: (i + off, 0)),
            pl.BlockSpec((D, V), lambda i: (0, 0)),
        ],
        out_specs=pl.BlockSpec((block_rows, ng), lambda i: (i, 0)),
        out_shape=jax.ShapeDtypeStruct((nrows, ng), jnp.int32),
    )(w, rs, cbt)


_CH = 128


_NBUF = 8


def _sc_gather(table, idx):
    n = idx.shape[0]
    nw = 32
    b_per_w = n // nw
    n_ch = b_per_w // _CH
    nbuf = min(_NBUF, n_ch)
    mesh = plsc.VectorSubcoreMesh(core_axis_name="c", subcore_axis_name="s")

    @functools.partial(
        pl.kernel,
        out_type=jax.ShapeDtypeStruct((n, D), jnp.float32),
        mesh=mesh,
        compiler_params=pltpu.CompilerParams(use_tc_tiling_on_sc=False),
        scratch_types=[
            pltpu.VMEM((b_per_w,), jnp.int32),
            pltpu.VMEM((nbuf, _CH, D), jnp.float32),
            pltpu.SemaphoreType.DMA,
            pltpu.SemaphoreType.DMA,
            pltpu.SemaphoreType.DMA,
        ],
    )
    def k(table_hbm, idx_hbm, out_hbm, idx_v, bufs, gsem_a, gsem_b, osem):
        wid = lax.axis_index("s") * 2 + lax.axis_index("c")
        base = wid * b_per_w
        pltpu.sync_copy(idx_hbm.at[pl.ds(base, b_per_w)], idx_v)

        def fire_gather(j):
            return pltpu.async_copy(
                table_hbm.at[idx_v.at[pl.ds(j * _CH, _CH)]],
                bufs.at[j % nbuf],
                gsem_a if j % 2 == 0 else gsem_b,
            )

        ahead = max(1, nbuf - 2)
        gathers = [None] * n_ch
        outs = [None] * n_ch
        for j in range(min(ahead, n_ch)):
            gathers[j] = fire_gather(j)
        for j in range(n_ch):
            gp = j + ahead
            if gp < n_ch:
                if gp - nbuf >= 0:
                    outs[gp - nbuf].wait()
                gathers[gp] = fire_gather(gp)
            gathers[j].wait()
            outs[j] = pltpu.async_copy(
                bufs.at[j % nbuf],
                out_hbm.at[pl.ds(base + j * _CH, _CH)],
                osem,
            )
        for j in range(max(0, n_ch - nbuf), n_ch):
            outs[j].wait()

    return k(table, idx)


def _mm_body(uq_ref, rsu_ref, bq_ref, rsb_ref, out_ref):
    a = uq_ref[...] * rsu_ref[...]
    b = bq_ref[...] * rsb_ref[...]
    out_ref[...] = lax.dot_general(a, b, (((1,), (0,)), ((), ())),
                                   precision=_MM_PREC)


def _scaled_matmul(uq, rs_u, bq, rs_b, block_rows):
    n, k = uq.shape
    m = bq.shape[1]
    grid = (n // block_rows,)
    return pl.pallas_call(
        _mm_body,
        grid=grid,
        in_specs=[
            pl.BlockSpec((block_rows, k), lambda i: (i, 0)),
            pl.BlockSpec((block_rows, 1), lambda i: (i, 0)),
            pl.BlockSpec((k, m), lambda i: (0, 0)),
            pl.BlockSpec((k, 1), lambda i: (0, 0)),
        ],
        out_specs=pl.BlockSpec((block_rows, m), lambda i: (i, 0)),
        out_shape=jax.ShapeDtypeStruct((n, m), jnp.float32),
    )(uq, rs_u, bq, rs_b)


def kernel(U, B, rs_U, rs_B, cb_U, cb_B):
    cbt_U = cb_U.T
    cbt_B = cb_B.T
    Bq = _pq_argmin_gather(B, rs_B, cbt_B, block_rows=256)
    idx_U = _pq_argmin(U, rs_U, cbt_U, 1024)
    qU = _sc_gather(cb_U, idx_U.reshape(-1))
    Uq = qU.reshape(16384, 256)
    return _scaled_matmul(Uq, rs_U, Bq, rs_B, block_rows=2048)

# --- scband reference (transcript-rebuilt; emitter-appended) ---
"""Pipeline reference for scband-pqhot-low-rank-89593017794940 (READ-ONLY COPY).

The authoritative reference and input builder live on the scoring server;
editing this copy changes nothing except your own understanding.
"""

import jax, jax.numpy as jnp
import numpy as np

D = 64


def _pq_nearest_idx(x, cb):
    # squared Euclidean distance (argmin identical to torch.cdist argmin)
    x2 = jnp.sum(x * x, axis=1, keepdims=True)
    c2 = jnp.sum(cb * cb, axis=1)[None, :]
    d2 = x2 - 2.0 * (x @ cb.T) + c2
    return jnp.argmin(d2, axis=1)


def pq_quantize(w, cb, rs):
    O, I = w.shape
    w_scaled = w / rs
    groups = w_scaled.reshape(-1, D)
    idx = _pq_nearest_idx(groups, cb)
    q = jnp.take(cb, idx, axis=0)
    return q.reshape(O, I) * rs


def setup_inputs(seed: int = 0) -> dict:
    key = jax.random.key(seed)
    ks = jax.random.split(key, 6)
    U = jax.random.normal(ks[0], (16384, 256), dtype=jnp.float32)
    B = jax.random.normal(ks[1], (256, 1024), dtype=jnp.float32)
    # row scales: positive, bounded away from zero (module uses abs-max per row)
    rs_U = jax.random.uniform(ks[2], (16384, 1), dtype=jnp.float32, minval=0.5, maxval=1.5)
    rs_B = jax.random.uniform(ks[3], (256, 1), dtype=jnp.float32, minval=0.5, maxval=1.5)
    cb_U = jax.random.normal(ks[4], (1024, 64), dtype=jnp.float32)
    cb_B = jax.random.normal(ks[5], (1024, 64), dtype=jnp.float32)
    return {"U": U, "B": B, "rs_U": rs_U, "rs_B": rs_B, "cb_U": cb_U, "cb_B": cb_B}


def reference(U, B, rs_U, rs_B, cb_U, cb_B):
    # PQHotLowRank.all_rows(): quantize both low-rank factors then matmul
    Uq = pq_quantize(U, cb_U, rs_U)
    Bq = pq_quantize(B, cb_B, rs_B)
    return Uq @ Bq

if __name__ == "__main__":
    import jax
    _d = setup_inputs()
    print(jax.jit(kernel)(*tuple(_d.values())))

</pallas_src>

<mosaic_0001>
#map = affine_map<(d0, d1) -> (0, 0)>
#map1 = affine_map<(d0, d1) -> (0)>
module attributes {stable_mosaic.version = 14 : i64} {
  func.func @k(%arg0: i32, %arg1: i32, %arg2: memref<1024x64xf32, #tpu.memory_space<hbm>>, %arg3: memref<65536xi32, #tpu.memory_space<hbm>>, %arg4: memref<65536x64xf32, #tpu.memory_space<hbm>>, %arg5: memref<2048xi32, #tpu.memory_space<vmem>>, %arg6: memref<8x128x64xf32, #tpu.memory_space<vmem>>, %arg7: memref<!tpu.dma_semaphore, #tpu.memory_space<semaphore_mem>>, %arg8: memref<!tpu.dma_semaphore, #tpu.memory_space<semaphore_mem>>, %arg9: memref<!tpu.dma_semaphore, #tpu.memory_space<semaphore_mem>>) attributes {dimension_semantics = [#tpu.dimension_semantics<core_parallel>, #tpu.dimension_semantics<subcore_parallel>], iteration_bounds = array<i64: 2, 16>, scalar_prefetch = 0 : i64, scratch_operands = 5 : i64, tpu.core_type = #tpu.core_type<sc_vector_subcore>, window_params = [{transform_indices = #map}, {transform_indices = #map1}, {transform_indices = #map}]} {
    %mul3A = arith.constant 2 : i32
    %mul3A_0 = arith.muli %arg1, %mul3A : i32
    %add3A = arith.addi %mul3A_0, %arg0 : i32
    %mul3A_1 = arith.constant 2048 : i32
    %mul3A_2 = arith.muli %add3A, %mul3A_1 : i32
    "tpu.region"() ({
      %run_scoped3A = tpu.sem_alloc : memref<!tpu.dma_semaphore, #tpu.memory_space<semaphore_mem>>
      %dma_start3A_769 = tpu.memref_slice %arg3[%mul3A_2] : memref<65536xi32, #tpu.memory_space<hbm>> -> memref<2048xi32, #tpu.memory_space<hbm>>
      %dma_start3A_770 = tpu.memref_slice %arg3[%mul3A_2] : memref<65536xi32, #tpu.memory_space<hbm>> -> memref<2048xi32, #tpu.memory_space<hbm>>
      tpu.enqueue_dma source(%dma_start3A_770 : memref<2048xi32, #tpu.memory_space<hbm>>) target(%arg5 : memref<2048xi32, #tpu.memory_space<vmem>>) target_semaphore(%run_scoped3A : memref<!tpu.dma_semaphore, #tpu.memory_space<semaphore_mem>>)
      %dma_wait3A_771 = tpu.memref_slice %arg3[%mul3A_2] : memref<65536xi32, #tpu.memory_space<hbm>> -> memref<2048xi32, #tpu.memory_space<hbm>>
      %dma_wait3A_772 = tpu.memref_slice %arg3[%mul3A_2] : memref<65536xi32, #tpu.memory_space<hbm>> -> memref<2048xi32, #tpu.memory_space<hbm>>
      tpu.wait_dma2 semaphore(%run_scoped3A : memref<!tpu.dma_semaphore, #tpu.memory_space<semaphore_mem>>) src(%dma_wait3A_772 : memref<2048xi32, #tpu.memory_space<hbm>>) dst(%arg5 : memref<2048xi32, #tpu.memory_space<vmem>>)
      tpu.yield
    }) : () -> ()
    %dma_start3A = arith.constant 0 : i32
    %dma_start3A_3 = arith.constant 0 : i32
    %dma_start3A_4 = arith.constant 0 : i32
    %dma_start3A_5 = tpu.memref_slice %arg6[%dma_start3A, %dma_start3A_3, %dma_start3A_4] : memref<8x128x64xf32, #tpu.memory_space<vmem>> -> memref<1x128x64xf32, #tpu.memory_space<vmem>>
    %dma_start3A_6 = tpu.memref_squeeze %dma_start3A_5 : memref<1x128x64xf32, #tpu.memory_space<vmem>> -> memref<128x64xf32, #tpu.memory_space<vmem>>
    %dma_start3A_7 = arith.constant 0 : i32
    %dma_start3A_8 = tpu.memref_slice %arg5[%dma_start3A_7] : memref<2048xi32, #tpu.memory_space<vmem>> -> memref<128xi32, #tpu.memory_space<vmem>>
    %dma_start3A_9 = arith.constant 0 : i32
    %dma_start3A_10 = arith.constant 0 : i32
    %dma_start3A_11 = tpu.memref_slice %arg2[%dma_start3A_9, %dma_start3A_10] : memref<1024x64xf32, #tpu.memory_space<hbm>> -> memref<1024x64xf32, #tpu.memory_space<hbm>>
    tpu.enqueue_indirect_dma source(%dma_start3A_11 : memref<1024x64xf32, #tpu.memory_space<hbm>>) target(%dma_start3A_6 : memref<128x64xf32, #tpu.memory_space<vmem>>) offsets(%dma_start3A_8 : memref<128xi32, #tpu.memory_space<vmem>>) semaphore(%arg7 : memref<!tpu.dma_semaphore, #tpu.memory_space<semaphore_mem>>)
    %dma_start3A_12 = arith.constant 1 : i32
    %dma_start3A_13 = arith.constant 0 : i32
    %dma_start3A_14 = arith.constant 0 : i32
    %dma_start3A_15 = tpu.memref_slice %arg6[%dma_start3A_12, %dma_start3A_13, %dma_start3A_14] : memref<8x128x64xf32, #tpu.memory_space<vmem>> -> memref<1x128x64xf32, #tpu.memory_space<vmem>>
    %dma_start3A_16 = tpu.memref_squeeze %dma_start3A_15 : memref<1x128x64xf32, #tpu.memory_space<vmem>> -> memref<128x64xf32, #tpu.memory_space<vmem>>
    %dma_start3A_17 = arith.constant 128 : i32
    %dma_start3A_18 = tpu.memref_slice %arg5[%dma_start3A_17] : memref<2048xi32, #tpu.memory_space<vmem>> -> memref<128xi32, #tpu.memory_space<vmem>>
    %dma_start3A_19 = arith.constant 0 : i32
    %dma_start3A_20 = arith.constant 0 : i32
    %dma_start3A_21 = tpu.memref_slice %arg2[%dma_start3A_19, %dma_start3A_20] : memref<1024x64xf32, #tpu.memory_space<hbm>> -> memref<1024x64xf32, #tpu.memory_space<hbm>>
    tpu.enqueue_indirect_dma source(%dma_start3A_21 : memref<1024x64xf32, #tpu.memory_space<hbm>>) target(%dma_start3A_16 : memref<128x64xf32, #tpu.memory_space<vmem>>) offsets(%dma_start3A_18 : memref<128xi32, #tpu.memory_space<vmem>>) semaphore(%arg8 : memref<!tpu.dma_semaphore, #tpu.memory_space<semaphore_mem>>)
    %dma_start3A_22 = arith.constant 2 : i32
    %dma_start3A_23 = arith.constant 0 : i32
    %dma_start3A_24 = arith.constant 0 : i32
    %dma_start3A_25 = tpu.memref_slice %arg6[%dma_start3A_22, %dma_start3A_23, %dma_start3A_24] : memref<8x128x64xf32, #tpu.memory_space<vmem>> -> memref<1x128x64xf32, #tpu.memory_space<vmem>>
    %dma_start3A_26 = tpu.memref_squeeze %dma_start3A_25 : memref<1x128x64xf32, #tpu.memory_space<vmem>> -> memref<128x64xf32, #tpu.memory_space<vmem>>
    %dma_start3A_27 = arith.constant 256 : i32
    %dma_start3A_28 = tpu.memref_slice %arg5[%dma_start3A_27] : memref<2048xi32, #tpu.memory_space<vmem>> -> memref<128xi32, #tpu.memory_space<vmem>>
    %dma_start3A_29 = arith.constant 0 : i32
    %dma_start3A_30 = arith.constant 0 : i32
    %dma_start3A_31 = tpu.memref_slice %arg2[%dma_start3A_29, %dma_start3A_30] : memref<1024x64xf32, #tpu.memory_space<hbm>> -> memref<1024x64xf32, #tpu.memory_space<hbm>>
    tpu.enqueue_indirect_dma source(%dma_start3A_31 : memref<1024x64xf32, #tpu.memory_space<hbm>>) target(%dma_start3A_26 : memref<128x64xf32, #tpu.memory_space<vmem>>) offsets(%dma_start3A_28 : memref<128xi32, #tpu.memory_space<vmem>>) semaphore(%arg7 : memref<!tpu.dma_semaphore, #tpu.memory_space<semaphore_mem>>)
    %dma_start3A_32 = arith.constant 3 : i32
    %dma_start3A_33 = arith.constant 0 : i32
    %dma_start3A_34 = arith.constant 0 : i32
    %dma_start3A_35 = tpu.memref_slice %arg6[%dma_start3A_32, %dma_start3A_33, %dma_start3A_34] : memref<8x128x64xf32, #tpu.memory_space<vmem>> -> memref<1x128x64xf32, #tpu.memory_space<vmem>>
    %dma_start3A_36 = tpu.memref_squeeze %dma_start3A_35 : memref<1x128x64xf32, #tpu.memory_space<vmem>> -> memref<128x64xf32, #tpu.memory_space<vmem>>
    %dma_start3A_37 = arith.constant 384 : i32
    %dma_start3A_38 = tpu.memref_slice %arg5[%dma_start3A_37] : memref<2048xi32, #tpu.memory_space<vmem>> -> memref<128xi32, #tpu.memory_space<vmem>>
    %dma_start3A_39 = arith.constant 0 : i32
    %dma_start3A_40 = arith.constant 0 : i32
    %dma_start3A_41 = tpu.memref_slice %arg2[%dma_start3A_39, %dma_start3A_40] : memref<1024x64xf32, #tpu.memory_space<hbm>> -> memref<1024x64xf32, #tpu.memory_space<hbm>>
    tpu.enqueue_indirect_dma source(%dma_start3A_41 : memref<1024x64xf32, #tpu.memory_space<hbm>>) target(%dma_start3A_36 : memref<128x64xf32, #tpu.memory_space<vmem>>) offsets(%dma_start3A_38 : memref<128xi32, #tpu.memory_space<vmem>>) semaphore(%arg8 : memref<!tpu.dma_semaphore, #tpu.memory_space<semaphore_mem>>)
    %dma_start3A_42 = arith.constant 4 : i32
    %dma_start3A_43 = arith.constant 0 : i32
    %dma_start3A_44 = arith.constant 0 : i32
    %dma_start3A_45 = tpu.memref_slice %arg6[%dma_start3A_42, %dma_start3A_43, %dma_start3A_44] : memref<8x128x64xf32, #tpu.memory_space<vmem>> -> memref<1x128x64xf32, #tpu.memory_space<vmem>>
    %dma_start3A_46 = tpu.memref_squeeze %dma_start3A_45 : memref<1x128x64xf32, #tpu.memory_space<vmem>> -> memref<128x64xf32, #tpu.memory_space<vmem>>
    %dma_start3A_47 = arith.constant 512 : i32
    %dma_start3A_48 = tpu.memref_slice %arg5[%dma_start3A_47] : memref<2048xi32, #tpu.memory_space<vmem>> -> memref<128xi32, #tpu.memory_space<vmem>>
    %dma_start3A_49 = arith.constant 0 : i32
    %dma_start3A_50 = arith.constant 0 : i32
    %dma_start3A_51 = tpu.memref_slice %arg2[%dma_start3A_49, %dma_start3A_50] : memref<1024x64xf32, #tpu.memory_space<hbm>> -> memref<1024x64xf32, #tpu.memory_space<hbm>>
    tpu.enqueue_indirect_dma source(%dma_start3A_51 : memref<1024x64xf32, #tpu.memory_space<hbm>>) target(%dma_start3A_46 : memref<128x64xf32, #tpu.memory_space<vmem>>) offsets(%dma_start3A_48 : memref<128xi32, #tpu.memory_space<vmem>>) semaphore(%arg7 : memref<!tpu.dma_semaphore, #tpu.memory_space<semaphore_mem>>)
    %dma_start3A_52 = arith.constant 5 : i32
    %dma_start3A_53 = arith.constant 0 : i32
    %dma_start3A_54 = arith.constant 0 : i32
    %dma_start3A_55 = tpu.memref_slice %arg6[%dma_start3A_52, %dma_start3A_53, %dma_start3A_54] : memref<8x128x64xf32, #tpu.memory_space<vmem>> -> memref<1x128x64xf32, #tpu.memory_space<vmem>>
    %dma_start3A_56 = tpu.memref_squeeze %dma_start3A_55 : memref<1x128x64xf32, #tpu.memory_space<vmem>> -> memref<128x64xf32, #tpu.memory_space<vmem>>
    %dma_start3A_57 = arith.constant 640 : i32
    %dma_start3A_58 = tpu.memref_slice %arg5[%dma_start3A_57] : memref<2048xi32, #tpu.memory_space<vmem>> -> memref<128xi32, #tpu.memory_space<vmem>>
    %dma_start3A_59 = arith.constant 0 : i32
    %dma_start3A_60 = arith.constant 0 : i32
    %dma_start3A_61 = tpu.memref_slice %arg2[%dma_start3A_59, %dma_start3A_60] : memref<1024x64xf32, #tpu.memory_space<hbm>> -> memref<1024x64xf32, #tpu.memory_space<hbm>>
    tpu.enqueue_indirect_dma source(%dma_start3A_61 : memref<1024x64xf32, #tpu.memory_space<hbm>>) target(%dma_start3A_56 : memref<128x64xf32, #tpu.memory_space<vmem>>) offsets(%dma_start3A_58 : memref<128xi32, #tpu.memory_space<vmem>>) semaphore(%arg8 : memref<!tpu.dma_semaphore, #tpu.memory_space<semaphore_mem>>)
    %dma_start3A_62 = arith.constant 6 : i32
    %dma_start3A_63 = arith.constant 0 : i32
    %dma_start3A_64 = arith.constant 0 : i32
    %dma_start3A_65 = tpu.memref_slice %arg6[%dma_start3A_62, %dma_start3A_63, %dma_start3A_64] : memref<8x128x64xf32, #tpu.memory_space<vmem>> -> memref<1x128x64xf32, #tpu.memory_space<vmem>>
    %dma_start3A_66 = tpu.memref_squeeze %dma_start3A_65 : memref<1x128x64xf32, #tpu.memory_space<vmem>> -> memref<128x64xf32, #tpu.memory_space<vmem>>
    %dma_start3A_67 = arith.constant 768 : i32
    %dma_start3A_68 = tpu.memref_slice %arg5[%dma_start3A_67] : memref<2048xi32, #tpu.memory_space<vmem>> -> memref<128xi32, #tpu.memory_space<vmem>>
    %dma_start3A_69 = arith.constant 0 : i32
    %dma_start3A_70 = arith.constant 0 : i32
    %dma_start3A_71 = tpu.memref_slice %arg2[%dma_start3A_69, %dma_start3A_70] : memref<1024x64xf32, #tpu.memory_space<hbm>> -> memref<1024x64xf32, #tpu.memory_space<hbm>>
    tpu.enqueue_indirect_dma source(%dma_start3A_71 : memref<1024x64xf32, #tpu.memory_space<hbm>>) target(%dma_start3A_66 : memref<128x64xf32, #tpu.memory_space<vmem>>) offsets(%dma_start3A_68 : memref<128xi32, #tpu.memory_space<vmem>>) semaphore(%arg7 : memref<!tpu.dma_semaphore, #tpu.memory_space<semaphore_mem>>)
    %dma_wait3A = arith.constant 0 : i32
    %dma_wait3A_72 = arith.constant 0 : i32
    %dma_wait3A_73 = arith.constant 0 : i32
    %dma_wait3A_74 = tpu.memref_slice %arg6[%dma_wait3A, %dma_wait3A_72, %dma_wait3A_73] : memref<8x128x64xf32, #tpu.memory_space<vmem>> -> memref<1x128x64xf32, #tpu.memory_space<vmem>>
    %dma_wait3A_75 = tpu.memref_squeeze %dma_wait3A_74 : memref<1x128x64xf32, #tpu.memory_space<vmem>> -> memref<128x64xf32, #tpu.memory_space<vmem>>
    %dma_wait3A_76 = arith.constant 0 : i32
    %dma_wait3A_77 = tpu.memref_slice %arg5[%dma_wait3A_76] : memref<2048xi32, #tpu.memory_space<vmem>> -> memref<128xi32, #tpu.memory_space<vmem>>
    %dma_wait3A_78 = arith.constant 0 : i32
    %dma_wait3A_79 = arith.constant 0 : i32
    %dma_wait3A_80 = tpu.memref_slice %arg2[%dma_wait3A_78, %dma_wait3A_79] : memref<1024x64xf32, #tpu.memory_space<hbm>> -> memref<1024x64xf32, #tpu.memory_space<hbm>>
    tpu.wait_indirect_dma semaphore(%arg7 : memref<!tpu.dma_semaphore, #tpu.memory_space<semaphore_mem>>) src(%dma_wait3A_80 : memref<1024x64xf32, #tpu.memory_space<hbm>>) dst(%dma_wait3A_75 : memref<128x64xf32, #tpu.memory_space<vmem>>)
    %add3A_81 = arith.constant 0 : i32
    %add3A_82 = arith.addi %mul3A_2, %add3A_81 : i32
    %dma_start3A_83 = arith.constant 0 : i32
    %dma_start3A_84 = arith.constant 0 : i32
    %dma_start3A_85 = arith.constant 0 : i32
    %dma_start3A_86 = tpu.memref_slice %arg6[%dma_start3A_83, %dma_start3A_84, %dma_start3A_85] : memref<8x128x64xf32, #tpu.memory_space<vmem>> -> memref<1x128x64xf32, #tpu.memory_space<vmem>>
    %dma_start3A_87 = tpu.memref_squeeze %dma_start3A_86 : memref<1x128x64xf32, #tpu.memory_space<vmem>> -> memref<128x64xf32, #tpu.memory_space<vmem>>
    %dma_start3A_88 = arith.constant 0 : i32
    %dma_start3A_89 = tpu.memref_slice %arg4[%add3A_82, %dma_start3A_88] : memref<65536x64xf32, #tpu.memory_space<hbm>> -> memref<128x64xf32, #tpu.memory_space<hbm>>
    %dma_start3A_90 = arith.constant 0 : i32
    %dma_start3A_91 = tpu.memref_slice %arg4[%add3A_82, %dma_start3A_90] : memref<65536x64xf32, #tpu.memory_space<hbm>> -> memref<128x64xf32, #tpu.memory_space<hbm>>
    %dma_start3A_92 = arith.constant 0 : i32
    %dma_start3A_93 = arith.constant 0 : i32
    %dma_start3A_94 = tpu.memref_slice %arg6[%dma_start3A_83, %dma_start3A_92, %dma_start3A_93] : memref<8x128x64xf32, #tpu.memory_space<vmem>> -> memref<1x128x64xf32, #tpu.memory_space<vmem>>
    %dma_start3A_95 = tpu.memref_squeeze %dma_start3A_94 : memref<1x128x64xf32, #tpu.memory_space<vmem>> -> memref<128x64xf32, #tpu.memory_space<vmem>>
    tpu.enqueue_dma source(%dma_start3A_95 : memref<128x64xf32, #tpu.memory_space<vmem>>) target(%dma_start3A_91 : memref<128x64xf32, #tpu.memory_space<hbm>>) target_semaphore(%arg9 : memref<!tpu.dma_semaphore, #tpu.memory_space<semaphore_mem>>)
    %dma_start3A_96 = arith.constant 7 : i32
    %dma_start3A_97 = arith.constant 0 : i32
    %dma_start3A_98 = arith.constant 0 : i32
    %dma_start3A_99 = tpu.memref_slice %arg6[%dma_start3A_96, %dma_start3A_97, %dma_start3A_98] : memref<8x128x64xf32, #tpu.memory_space<vmem>> -> memref<1x128x64xf32, #tpu.memory_space<vmem>>
    %dma_start3A_100 = tpu.memref_squeeze %dma_start3A_99 : memref<1x128x64xf32, #tpu.memory_space<vmem>> -> memref<128x64xf32, #tpu.memory_space<vmem>>
    %dma_start3A_101 = arith.constant 896 : i32
    %dma_start3A_102 = tpu.memref_slice %arg5[%dma_start3A_101] : memref<2048xi32, #tpu.memory_space<vmem>> -> memref<128xi32, #tpu.memory_space<vmem>>
    %dma_start3A_103 = arith.constant 0 : i32
    %dma_start3A_104 = arith.constant 0 : i32
    %dma_start3A_105 = tpu.memref_slice %arg2[%dma_start3A_103, %dma_start3A_104] : memref<1024x64xf32, #tpu.memory_space<hbm>> -> memref<1024x64xf32, #tpu.memory_space<hbm>>
    tpu.enqueue_indirect_dma source(%dma_start3A_105 : memref<1024x64xf32, #tpu.memory_space<hbm>>) target(%dma_start3A_100 : memref<128x64xf32, #tpu.memory_space<vmem>>) offsets(%dma_start3A_102 : memref<128xi32, #tpu.memory_space<vmem>>) semaphore(%arg8 : memref<!tpu.dma_semaphore, #tpu.memory_space<semaphore_mem>>)
    %dma_wait3A_106 = arith.constant 1 : i32
    %dma_wait3A_107 = arith.constant 0 : i32
    %dma_wait3A_108 = arith.constant 0 : i32
    %dma_wait3A_109 = tpu.memref_slice %arg6[%dma_wait3A_106, %dma_wait3A_107, %dma_wait3A_108] : memref<8x128x64xf32, #tpu.memory_space<vmem>> -> memref<1x128x64xf32, #tpu.memory_space<vmem>>
    %dma_wait3A_110 = tpu.memref_squeeze %dma_wait3A_109 : memref<1x128x64xf32, #tpu.memory_space<vmem>> -> memref<128x64xf32, #tpu.memory_space<vmem>>
    %dma_wait3A_111 = arith.constant 128 : i32
    %dma_wait3A_112 = tpu.memref_slice %arg5[%dma_wait3A_111] : memref<2048xi32, #tpu.memory_space<vmem>> -> memref<128xi32, #tpu.memory_space<vmem>>
    %dma_wait3A_113 = arith.constant 0 : i32
    %dma_wait3A_114 = arith.constant 0 : i32
    %dma_wait3A_115 = tpu.memref_slice %arg2[%dma_wait3A_113, %dma_wait3A_114] : memref<1024x64xf32, #tpu.memory_space<hbm>> -> memref<1024x64xf32, #tpu.memory_space<hbm>>
    tpu.wait_indirect_dma semaphore(%arg8 : memref<!tpu.dma_semaphore, #tpu.memory_space<semaphore_mem>>) src(%dma_wait3A_115 : memref<1024x64xf32, #tpu.memory_space<hbm>>) dst(%dma_wait3A_110 : memref<128x64xf32, #tpu.memory_space<vmem>>)
    %add3A_116 = arith.constant 128 : i32
    %add3A_117 = arith.addi %mul3A_2, %add3A_116 : i32
    %dma_start3A_118 = arith.constant 1 : i32
    %dma_start3A_119 = arith.constant 0 : i32
    %dma_start3A_120 = arith.constant 0 : i32
    %dma_start3A_121 = tpu.memref_slice %arg6[%dma_start3A_118, %dma_start3A_119, %dma_start3A_120] : memref<8x128x64xf32, #tpu.memory_space<vmem>> -> memref<1x128x64xf32, #tpu.memory_space<vmem>>
    %dma_start3A_122 = tpu.memref_squeeze %dma_start3A_121 : memref<1x128x64xf32, #tpu.memory_space<vmem>> -> memref<128x64xf32, #tpu.memory_space<vmem>>
    %dma_start3A_123 = arith.constant 0 : i32
    %dma_start3A_124 = tpu.memref_slice %arg4[%add3A_117, %dma_start3A_123] : memref<65536x64xf32, #tpu.memory_space<hbm>> -> memref<128x64xf32, #tpu.memory_space<hbm>>
    %dma_start3A_125 = arith.constant 0 : i32
    %dma_start3A_126 = tpu.memref_slice %arg4[%add3A_117, %dma_start3A_125] : memref<65536x64xf32, #tpu.memory_space<hbm>> -> memref<128x64xf32, #tpu.memory_space<hbm>>
    %dma_start3A_127 = arith.constant 0 : i32
    %dma_start3A_128 = arith.constant 0 : i32
    %dma_start3A_129 = tpu.memref_slice %arg6[%dma_start3A_118, %dma_start3A_127, %dma_start3A_128] : memref<8x128x64xf32, #tpu.memory_space<vmem>> -> memref<1x128x64xf32, #tpu.memory_space<vmem>>
    %dma_start3A_130 = tpu.memref_squeeze %dma_start3A_129 : memref<1x128x64xf32, #tpu.memory_space<vmem>> -> memref<128x64xf32, #tpu.memory_space<vmem>>
    tpu.enqueue_dma source(%dma_start3A_130 : memref<128x64xf32, #tpu.memory_space<vmem>>) target(%dma_start3A_126 : memref<128x64xf32, #tpu.memory_space<hbm>>) target_semaphore(%arg9 : memref<!tpu.dma_semaphore, #tpu.memory_space<semaphore_mem>>)
    %dma_wait3A_131 = arith.constant 0 : i32
    %dma_wait3A_132 = arith.constant 0 : i32
    %dma_wait3A_133 = arith.constant 0 : i32
    %dma_wait3A_134 = tpu.memref_slice %arg6[%dma_wait3A_131, %dma_wait3A_132, %dma_wait3A_133] : memref<8x128x64xf32, #tpu.memory_space<vmem>> -> memref<1x128x64xf32, #tpu.memory_space<vmem>>
    %dma_wait3A_135 = tpu.memref_squeeze %dma_wait3A_134 : memref<1x128x64xf32, #tpu.memory_space<vmem>> -> memref<128x64xf32, #tpu.memory_space<vmem>>
    %dma_wait3A_136 = arith.constant 0 : i32
    %dma_wait3A_137 = tpu.memref_slice %arg4[%add3A_82, %dma_wait3A_136] : memref<65536x64xf32, #tpu.memory_space<hbm>> -> memref<128x64xf32, #tpu.memory_space<hbm>>
    %dma_wait3A_138 = arith.constant 0 : i32
    %dma_wait3A_139 = tpu.memref_slice %arg4[%add3A_82, %dma_wait3A_138] : memref<65536x64xf32, #tpu.memory_space<hbm>> -> memref<128x64xf32, #tpu.memory_space<hbm>>
    %dma_wait3A_140 = arith.constant 0 : i32
    %dma_wait3A_141 = arith.constant 0 : i32
    %dma_wait3A_142 = tpu.memref_slice %arg6[%dma_wait3A_131, %dma_wait3A_140, %dma_wait3A_141] : memref<8x128x64xf32, #tpu.memory_space<vmem>> -> memref<1x128x64xf32, #tpu.memory_space<vmem>>
    %dma_wait3A_143 = tpu.memref_squeeze %dma_wait3A_142 : memref<1x128x64xf32, #tpu.memory_space<vmem>> -> memref<128x64xf32, #tpu.memory_space<vmem>>
    tpu.wait_dma2 semaphore(%arg9 : memref<!tpu.dma_semaphore, #tpu.memory_space<semaphore_mem>>) src(%dma_wait3A_143 : memref<128x64xf32, #tpu.memory_space<vmem>>) dst(%dma_wait3A_139 : memref<128x64xf32, #tpu.memory_space<hbm>>)
    %dma_start3A_144 = arith.constant 0 : i32
    %dma_start3A_145 = arith.constant 0 : i32
    %dma_start3A_146 = arith.constant 0 : i32
    %dma_start3A_147 = tpu.memref_slice %arg6[%dma_start3A_144, %dma_start3A_145, %dma_start3A_146] : memref<8x128x64xf32, #tpu.memory_space<vmem>> -> memref<1x128x64xf32, #tpu.memory_space<vmem>>
    %dma_start3A_148 = tpu.memref_squeeze %dma_start3A_147 : memref<1x128x64xf32, #tpu.memory_space<vmem>> -> memref<128x64xf32, #tpu.memory_space<vmem>>
    %dma_start3A_149 = arith.constant 1024 : i32
    %dma_start3A_150 = tpu.memref_slice %arg5[%dma_start3A_149] : memref<2048xi32, #tpu.memory_space<vmem>> -> memref<128xi32, #tpu.memory_space<vmem>>
    %dma_start3A_151 = arith.constant 0 : i32
    %dma_start3A_152 = arith.constant 0 : i32
    %dma_start3A_153 = tpu.memref_slice %arg2[%dma_start3A_151, %dma_start3A_152] : memref<1024x64xf32, #tpu.memory_space<hbm>> -> memref<1024x64xf32, #tpu.memory_space<hbm>>
    tpu.enqueue_indirect_dma source(%dma_start3A_153 : memref<1024x64xf32, #tpu.memory_space<hbm>>) target(%dma_start3A_148 : memref<128x64xf32, #tpu.memory_space<vmem>>) offsets(%dma_start3A_150 : memref<128xi32, #tpu.memory_space<vmem>>) semaphore(%arg7 : memref<!tpu.dma_semaphore, #tpu.memory_space<semaphore_mem>>)
    %dma_wait3A_154 = arith.constant 2 : i32
    %dma_wait3A_155 = arith.constant 0 : i32
    %dma_wait3A_156 = arith.constant 0 : i32
    %dma_wait3A_157 = tpu.memref_slice %arg6[%dma_wait3A_154, %dma_wait3A_155, %dma_wait3A_156] : memref<8x128x64xf32, #tpu.memory_space<vmem>> -> memref<1x128x64xf32, #tpu.memory_space<vmem>>
    %dma_wait3A_158 = tpu.memref_squeeze %dma_wait3A_157 : memref<1x128x64xf32, #tpu.memory_space<vmem>> -> memref<128x64xf32, #tpu.memory_space<vmem>>
    %dma_wait3A_159 = arith.constant 256 : i32
    %dma_wait3A_160 = tpu.memref_slice %arg5[%dma_wait3A_159] : memref<2048xi32, #tpu.memory_space<vmem>> -> memref<128xi32, #tpu.memory_space<vmem>>
    %dma_wait3A_161 = arith.constant 0 : i32
    %dma_wait3A_162 = arith.constant 0 : i32
    %dma_wait3A_163 = tpu.memref_slice %arg2[%dma_wait3A_161, %dma_wait3A_162] : memref<1024x64xf32, #tpu.memory_space<hbm>> -> memref<1024x64xf32, #tpu.memory_space<hbm>>
    tpu.wait_indirect_dma semaphore(%arg7 : memref<!tpu.dma_semaphore, #tpu.memory_space<semaphore_mem>>) src(%dma_wait3A_163 : memref<1024x64xf32, #tpu.memory_space<hbm>>) dst(%dma_wait3A_158 : memref<128x64xf32, #tpu.memory_space<vmem>>)
    %add3A_164 = arith.constant 256 : i32
    %add3A_165 = arith.addi %mul3A_2, %add3A_164 : i32
    %dma_start3A_166 = arith.constant 2 : i32
    %dma_start3A_167 = arith.constant 0 : i32
    %dma_start3A_168 = arith.constant 0 : i32
    %dma_start3A_169 = tpu.memref_slice %arg6[%dma_start3A_166, %dma_start3A_167, %dma_start3A_168] : memref<8x128x64xf32, #tpu.memory_space<vmem>> -> memref<1x128x64xf32, #tpu.memory_space<vmem>>
    %dma_start3A_170 = tpu.memref_squeeze %dma_start3A_169 : memref<1x128x64xf32, #tpu.memory_space<vmem>> -> memref<128x64xf32, #tpu.memory_space<vmem>>
    %dma_start3A_171 = arith.constant 0 : i32
    %dma_start3A_172 = tpu.memref_slice %arg4[%add3A_165, %dma_start3A_171] : memref<65536x64xf32, #tpu.memory_space<hbm>> -> memref<128x64xf32, #tpu.memory_space<hbm>>
    %dma_start3A_173 = arith.constant 0 : i32
    %dma_start3A_174 = tpu.memref_slice %arg4[%add3A_165, %dma_start3A_173] : memref<65536x64xf32, #tpu.memory_space<hbm>> -> memref<128x64xf32, #tpu.memory_space<hbm>>
    %dma_start3A_175 = arith.constant 0 : i32
    %dma_start3A_176 = arith.constant 0 : i32
    %dma_start3A_177 = tpu.memref_slice %arg6[%dma_start3A_166, %dma_start3A_175, %dma_start3A_176] : memref<8x128x64xf32, #tpu.memory_space<vmem>> -> memref<1x128x64xf32, #tpu.memory_space<vmem>>
    %dma_start3A_178 = tpu.memref_squeeze %dma_start3A_177 : memref<1x128x64xf32, #tpu.memory_space<vmem>> -> memref<128x64xf32, #tpu.memory_space<vmem>>
    tpu.enqueue_dma source(%dma_start3A_178 : memref<128x64xf32, #tpu.memory_space<vmem>>) target(%dma_start3A_174 : memref<128x64xf32, #tpu.memory_space<hbm>>) target_semaphore(%arg9 : memref<!tpu.dma_semaphore, #tpu.memory_space<semaphore_mem>>)
    %dma_wait3A_179 = arith.constant 1 : i32
    %dma_wait3A_180 = arith.constant 0 : i32
    %dma_wait3A_181 = arith.constant 0 : i32
    %dma_wait3A_182 = tpu.memref_slice %arg6[%dma_wait3A_179, %dma_wait3A_180, %dma_wait3A_181] : memref<8x128x64xf32, #tpu.memory_space<vmem>> -> memref<1x128x64xf32, #tpu.memory_space<vmem>>
    %dma_wait3A_183 = tpu.memref_squeeze %dma_wait3A_182 : memref<1x128x64xf32, #tpu.memory_space<vmem>> -> memref<128x64xf32, #tpu.memory_space<vmem>>
    %dma_wait3A_184 = arith.constant 0 : i32
    %dma_wait3A_185 = tpu.memref_slice %arg4[%add3A_117, %dma_wait3A_184] : memref<65536x64xf32, #tpu.memory_space<hbm>> -> memref<128x64xf32, #tpu.memory_space<hbm>>
    %dma_wait3A_186 = arith.constant 0 : i32
    %dma_wait3A_187 = tpu.memref_slice %arg4[%add3A_117, %dma_wait3A_186] : memref<65536x64xf32, #tpu.memory_space<hbm>> -> memref<128x64xf32, #tpu.memory_space<hbm>>
    %dma_wait3A_188 = arith.constant 0 : i32
    %dma_wait3A_189 = arith.constant 0 : i32
    %dma_wait3A_190 = tpu.memref_slice %arg6[%dma_wait3A_179, %dma_wait3A_188, %dma_wait3A_189] : memref<8x128x64xf32, #tpu.memory_space<vmem>> -> memref<1x128x64xf32, #tpu.memory_space<vmem>>
    %dma_wait3A_191 = tpu.memref_squeeze %dma_wait3A_190 : memref<1x128x64xf32, #tpu.memory_space<vmem>> -> memref<128x64xf32, #tpu.memory_space<vmem>>
    tpu.wait_dma2 semaphore(%arg9 : memref<!tpu.dma_semaphore, #tpu.memory_space<semaphore_mem>>) src(%dma_wait3A_191 : memref<128x64xf32, #tpu.memory_space<vmem>>) dst(%dma_wait3A_187 : memref<128x64xf32, #tpu.memory_space<hbm>>)
    %dma_start3A_192 = arith.constant 1 : i32
    %dma_start3A_193 = arith.constant 0 : i32
    %dma_start3A_194 = arith.constant 0 : i32
    %dma_start3A_195 = tpu.memref_slice %arg6[%dma_start3A_192, %dma_start3A_193, %dma_start3A_194] : memref<8x128x64xf32, #tpu.memory_space<vmem>> -> memref<1x128x64xf32, #tpu.memory_space<vmem>>
    %dma_start3A_196 = tpu.memref_squeeze %dma_start3A_195 : memref<1x128x64xf32, #tpu.memory_space<vmem>> -> memref<128x64xf32, #tpu.memory_space<vmem>>
    %dma_start3A_197 = arith.constant 1152 : i32
    %dma_start3A_198 = tpu.memref_slice %arg5[%dma_start3A_197] : memref<2048xi32, #tpu.memory_space<vmem>> -> memref<128xi32, #tpu.memory_space<vmem>>
    %dma_start3A_199 = arith.constant 0 : i32
    %dma_start3A_200 = arith.constant 0 : i32
    %dma_start3A_201 = tpu.memref_slice %arg2[%dma_start3A_199, %dma_start3A_200] : memref<1024x64xf32, #tpu.memory_space<hbm>> -> memref<1024x64xf32, #tpu.memory_space<hbm>>
    tpu.enqueue_indirect_dma source(%dma_start3A_201 : memref<1024x64xf32, #tpu.memory_space<hbm>>) target(%dma_start3A_196 : memref<128x64xf32, #tpu.memory_space<vmem>>) offsets(%dma_start3A_198 : memref<128xi32, #tpu.memory_space<vmem>>) semaphore(%arg8 : memref<!tpu.dma_semaphore, #tpu.memory_space<semaphore_mem>>)
    %dma_wait3A_202 = arith.constant 3 : i32
    %dma_wait3A_203 = arith.constant 0 : i32
    %dma_wait3A_204 = arith.constant 0 : i32
    %dma_wait3A_205 = tpu.memref_slice %arg6[%dma_wait3A_202, %dma_wait3A_203, %dma_wait3A_204] : memref<8x128x64xf32, #tpu.memory_space<vmem>> -> memref<1x128x64xf32, #tpu.memory_space<vmem>>
    %dma_wait3A_206 = tpu.memref_squeeze %dma_wait3A_205 : memref<1x128x64xf32, #tpu.memory_space<vmem>> -> memref<128x64xf32, #tpu.memory_space<vmem>>
    %dma_wait3A_207 = arith.constant 384 : i32
    %dma_wait3A_208 = tpu.memref_slice %arg5[%dma_wait3A_207] : memref<2048xi32, #tpu.memory_space<vmem>> -> memref<128xi32, #tpu.memory_space<vmem>>
    %dma_wait3A_209 = arith.constant 0 : i32
    %dma_wait3A_210 = arith.constant 0 : i32
    %dma_wait3A_211 = tpu.memref_slice %arg2[%dma_wait3A_209, %dma_wait3A_210] : memref<1024x64xf32, #tpu.memory_space<hbm>> -> memref<1024x64xf32, #tpu.memory_space<hbm>>
    tpu.wait_indirect_dma semaphore(%arg8 : memref<!tpu.dma_semaphore, #tpu.memory_space<semaphore_mem>>) src(%dma_wait3A_211 : memref<1024x64xf32, #tpu.memory_space<hbm>>) dst(%dma_wait3A_206 : memref<128x64xf32, #tpu.memory_space<vmem>>)
    %add3A_212 = arith.constant 384 : i32
    %add3A_213 = arith.addi %mul3A_2, %add3A_212 : i32
    %dma_start3A_214 = arith.constant 3 : i32
    %dma_start3A_215 = arith.constant 0 : i32
    %dma_start3A_216 = arith.constant 0 : i32
    %dma_start3A_217 = tpu.memref_slice %arg6[%dma_start3A_214, %dma_start3A_215, %dma_start3A_216] : memref<8x128x64xf32, #tpu.memory_space<vmem>> -> memref<1x128x64xf32, #tpu.memory_space<vmem>>
    %dma_start3A_218 = tpu.memref_squeeze %dma_start3A_217 : memref<1x128x64xf32, #tpu.memory_space<vmem>> -> memref<128x64xf32, #tpu.memory_space<vmem>>
    %dma_start3A_219 = arith.constant 0 : i32
    %dma_start3A_220 = tpu.memref_slice %arg4[%add3A_213, %dma_start3A_219] : memref<65536x64xf32, #tpu.memory_space<hbm>> -> memref<128x64xf32, #tpu.memory_space<hbm>>
    %dma_start3A_221 = arith.constant 0 : i32
    %dma_start3A_222 = tpu.memref_slice %arg4[%add3A_213, %dma_start3A_221] : memref<65536x64xf32, #tpu.memory_space<hbm>> -> memref<128x64xf32, #tpu.memory_space<hbm>>
    %dma_start3A_223 = arith.constant 0 : i32
    %dma_start3A_224 = arith.constant 0 : i32
    %dma_start3A_225 = tpu.memref_slice %arg6[%dma_start3A_214, %dma_start3A_223, %dma_start3A_224] : memref<8x128x64xf32, #tpu.memory_space<vmem>> -> memref<1x128x64xf32, #tpu.memory_space<vmem>>
    %dma_start3A_226 = tpu.memref_squeeze %dma_start3A_225 : memref<1x128x64xf32, #tpu.memory_space<vmem>> -> memref<128x64xf32, #tpu.memory_space<vmem>>
    tpu.enqueue_dma source(%dma_start3A_226 : memref<128x64xf32, #tpu.memory_space<vmem>>) target(%dma_start3A_222 : memref<128x64xf32, #tpu.memory_space<hbm>>) target_semaphore(%arg9 : memref<!tpu.dma_semaphore, #tpu.memory_space<semaphore_mem>>)
    %dma_wait3A_227 = arith.constant 2 : i32
    %dma_wait3A_228 = arith.constant 0 : i32
    %dma_wait3A_229 = arith.constant 0 : i32
    %dma_wait3A_230 = tpu.memref_slice %arg6[%dma_wait3A_227, %dma_wait3A_228, %dma_wait3A_229] : memref<8x128x64xf32, #tpu.memory_space<vmem>> -> memref<1x128x64xf32, #tpu.memory_space<vmem>>
    %dma_wait3A_231 = tpu.memref_squeeze %dma_wait3A_230 : memref<1x128x64xf32, #tpu.memory_space<vmem>> -> memref<128x64xf32, #tpu.memory_space<vmem>>
    %dma_wait3A_232 = arith.constant 0 : i32
    %dma_wait3A_233 = tpu.memref_slice %arg4[%add3A_165, %dma_wait3A_232] : memref<65536x64xf32, #tpu.memory_space<hbm>> -> memref<128x64xf32, #tpu.memory_space<hbm>>
    %dma_wait3A_234 = arith.constant 0 : i32
    %dma_wait3A_235 = tpu.memref_slice %arg4[%add3A_165, %dma_wait3A_234] : memref<65536x64xf32, #tpu.memory_space<hbm>> -> memref<128x64xf32, #tpu.memory_space<hbm>>
    %dma_wait3A_236 = arith.constant 0 : i32
    %dma_wait3A_237 = arith.constant 0 : i32
    %dma_wait3A_238 = tpu.memref_slice %arg6[%dma_wait3A_227, %dma_wait3A_236, %dma_wait3A_237] : memref<8x128x64xf32, #tpu.memory_space<vmem>> -> memref<1x128x64xf32, #tpu.memory_space<vmem>>
    %dma_wait3A_239 = tpu.memref_squeeze %dma_wait3A_238 : memref<1x128x64xf32, #tpu.memory_space<vmem>> -> memref<128x64xf32, #tpu.memory_space<vmem>>
    tpu.wait_dma2 semaphore(%arg9 : memref<!tpu.dma_semaphore, #tpu.memory_space<semaphore_mem>>) src(%dma_wait3A_239 : memref<128x64xf32, #tpu.memory_space<vmem>>) dst(%dma_wait3A_235 : memref<128x64xf32, #tpu.memory_space<hbm>>)
    %dma_start3A_240 = arith.constant 2 : i32
    %dma_start3A_241 = arith.constant 0 : i32
    %dma_start3A_242 = arith.constant 0 : i32
    %dma_start3A_243 = tpu.memref_slice %arg6[%dma_start3A_240, %dma_start3A_241, %dma_start3A_242] : memref<8x128x64xf32, #tpu.memory_space<vmem>> -> memref<1x128x64xf32, #tpu.memory_space<vmem>>
    %dma_start3A_244 = tpu.memref_squeeze %dma_start3A_243 : memref<1x128x64xf32, #tpu.memory_space<vmem>> -> memref<128x64xf32, #tpu.memory_space<vmem>>
    %dma_start3A_245 = arith.constant 1280 : i32
    %dma_start3A_246 = tpu.memref_slice %arg5[%dma_start3A_245] : memref<2048xi32, #tpu.memory_space<vmem>> -> memref<128xi32, #tpu.memory_space<vmem>>
    %dma_start3A_247 = arith.constant 0 : i32
    %dma_start3A_248 = arith.constant 0 : i32
    %dma_start3A_249 = tpu.memref_slice %arg2[%dma_start3A_247, %dma_start3A_248] : memref<1024x64xf32, #tpu.memory_space<hbm>> -> memref<1024x64xf32, #tpu.memory_space<hbm>>
    tpu.enqueue_indirect_dma source(%dma_start3A_249 : memref<1024x64xf32, #tpu.memory_space<hbm>>) target(%dma_start3A_244 : memref<128x64xf32, #tpu.memory_space<vmem>>) offsets(%dma_start3A_246 : memref<128xi32, #tpu.memory_space<vmem>>) semaphore(%arg7 : memref<!tpu.dma_semaphore, #tpu.memory_space<semaphore_mem>>)
    %dma_wait3A_250 = arith.constant 4 : i32
    %dma_wait3A_251 = arith.constant 0 : i32
    %dma_wait3A_252 = arith.constant 0 : i32
    %dma_wait3A_253 = tpu.memref_slice %arg6[%dma_wait3A_250, %dma_wait3A_251, %dma_wait3A_252] : memref<8x128x64xf32, #tpu.memory_space<vmem>> -> memref<1x128x64xf32, #tpu.memory_space<vmem>>
    %dma_wait3A_254 = tpu.memref_squeeze %dma_wait3A_253 : memref<1x128x64xf32, #tpu.memory_space<vmem>> -> memref<128x64xf32, #tpu.memory_space<vmem>>
    %dma_wait3A_255 = arith.constant 512 : i32
    %dma_wait3A_256 = tpu.memref_slice %arg5[%dma_wait3A_255] : memref<2048xi32, #tpu.memory_space<vmem>> -> memref<128xi32, #tpu.memory_space<vmem>>
    %dma_wait3A_257 = arith.constant 0 : i32
    %dma_wait3A_258 = arith.constant 0 : i32
    %dma_wait3A_259 = tpu.memref_slice %arg2[%dma_wait3A_257, %dma_wait3A_258] : memref<1024x64xf32, #tpu.memory_space<hbm>> -> memref<1024x64xf32, #tpu.memory_space<hbm>>
    tpu.wait_indirect_dma semaphore(%arg7 : memref<!tpu.dma_semaphore, #tpu.memory_space<semaphore_mem>>) src(%dma_wait3A_259 : memref<1024x64xf32, #tpu.memory_space<hbm>>) dst(%dma_wait3A_254 : memref<128x64xf32, #tpu.memory_space<vmem>>)
    %add3A_260 = arith.constant 512 : i32
    %add3A_261 = arith.addi %mul3A_2, %add3A_260 : i32
    %dma_start3A_262 = arith.constant 4 : i32
    %dma_start3A_263 = arith.constant 0 : i32
    %dma_start3A_264 = arith.constant 0 : i32
    %dma_start3A_265 = tpu.memref_slice %arg6[%dma_start3A_262, %dma_start3A_263, %dma_start3A_264] : memref<8x128x64xf32, #tpu.memory_space<vmem>> -> memref<1x128x64xf32, #tpu.memory_space<vmem>>
    %dma_start3A_266 = tpu.memref_squeeze %dma_start3A_265 : memref<1x128x64xf32, #tpu.memory_space<vmem>> -> memref<128x64xf32, #tpu.memory_space<vmem>>
    %dma_start3A_267 = arith.constant 0 : i32
    %dma_start3A_268 = tpu.memref_slice %arg4[%add3A_261, %dma_start3A_267] : memref<65536x64xf32, #tpu.memory_space<hbm>> -> memref<128x64xf32, #tpu.memory_space<hbm>>
    %dma_start3A_269 = arith.constant 0 : i32
    %dma_start3A_270 = tpu.memref_slice %arg4[%add3A_261, %dma_start3A_269] : memref<65536x64xf32, #tpu.memory_space<hbm>> -> memref<128x64xf32, #tpu.memory_space<hbm>>
    %dma_start3A_271 = arith.constant 0 : i32
    %dma_start3A_272 = arith.constant 0 : i32
    %dma_start3A_273 = tpu.memref_slice %arg6[%dma_start3A_262, %dma_start3A_271, %dma_start3A_272] : memref<8x128x64xf32, #tpu.memory_space<vmem>> -> memref<1x128x64xf32, #tpu.memory_space<vmem>>
    %dma_start3A_274 = tpu.memref_squeeze %dma_start3A_273 : memref<1x128x64xf32, #tpu.memory_space<vmem>> -> memref<128x64xf32, #tpu.memory_space<vmem>>
    tpu.enqueue_dma source(%dma_start3A_274 : memref<128x64xf32, #tpu.memory_space<vmem>>) target(%dma_start3A_270 : memref<128x64xf32, #tpu.memory_space<hbm>>) target_semaphore(%arg9 : memref<!tpu.dma_semaphore, #tpu.memory_space<semaphore_mem>>)
    %dma_wait3A_275 = arith.constant 3 : i32
    %dma_wait3A_276 = arith.constant 0 : i32
    %dma_wait3A_277 = arith.constant 0 : i32
    %dma_wait3A_278 = tpu.memref_slice %arg6[%dma_wait3A_275, %dma_wait3A_276, %dma_wait3A_277] : memref<8x128x64xf32, #tpu.memory_space<vmem>> -> memref<1x128x64xf32, #tpu.memory_space<vmem>>
    %dma_wait3A_279 = tpu.memref_squeeze %dma_wait3A_278 : memref<1x128x64xf32, #tpu.memory_space<vmem>> -> memref<128x64xf32, #tpu.memory_space<vmem>>
    %dma_wait3A_280 = arith.constant 0 : i32
    %dma_wait3A_281 = tpu.memref_slice %arg4[%add3A_213, %dma_wait3A_280] : memref<65536x64xf32, #tpu.memory_space<hbm>> -> memref<128x64xf32, #tpu.memory_space<hbm>>
    %dma_wait3A_282 = arith.constant 0 : i32
    %dma_wait3A_283 = tpu.memref_slice %arg4[%add3A_213, %dma_wait3A_282] : memref<65536x64xf32, #tpu.memory_space<hbm>> -> memref<128x64xf32, #tpu.memory_space<hbm>>
    %dma_wait3A_284 = arith.constant 0 : i32
    %dma_wait3A_285 = arith.constant 0 : i32
    %dma_wait3A_286 = tpu.memref_slice %arg6[%dma_wait3A_275, %dma_wait3A_284, %dma_wait3A_285] : memref<8x128x64xf32, #tpu.memory_space<vmem>> -> memref<1x128x64xf32, #tpu.memory_space<vmem>>
    %dma_wait3A_287 = tpu.memref_squeeze %dma_wait3A_286 : memref<1x128x64xf32, #tpu.memory_space<vmem>> -> memref<128x64xf32, #tpu.memory_space<vmem>>
    tpu.wait_dma2 semaphore(%arg9 : memref<!tpu.dma_semaphore, #tpu.memory_space<semaphore_mem>>) src(%dma_wait3A_287 : memref<128x64xf32, #tpu.memory_space<vmem>>) dst(%dma_wait3A_283 : memref<128x64xf32, #tpu.memory_space<hbm>>)
    %dma_start3A_288 = arith.constant 3 : i32
    %dma_start3A_289 = arith.constant 0 : i32
    %dma_start3A_290 = arith.constant 0 : i32
    %dma_start3A_291 = tpu.memref_slice %arg6[%dma_start3A_288, %dma_start3A_289, %dma_start3A_290] : memref<8x128x64xf32, #tpu.memory_space<vmem>> -> memref<1x128x64xf32, #tpu.memory_space<vmem>>
    %dma_start3A_292 = tpu.memref_squeeze %dma_start3A_291 : memref<1x128x64xf32, #tpu.memory_space<vmem>> -> memref<128x64xf32, #tpu.memory_space<vmem>>
    %dma_start3A_293 = arith.constant 1408 : i32
    %dma_start3A_294 = tpu.memref_slice %arg5[%dma_start3A_293] : memref<2048xi32, #tpu.memory_space<vmem>> -> memref<128xi32, #tpu.memory_space<vmem>>
    %dma_start3A_295 = arith.constant 0 : i32
    %dma_start3A_296 = arith.constant 0 : i32
    %dma_start3A_297 = tpu.memref_slice %arg2[%dma_start3A_295, %dma_start3A_296] : memref<1024x64xf32, #tpu.memory_space<hbm>> -> memref<1024x64xf32, #tpu.memory_space<hbm>>
    tpu.enqueue_indirect_dma source(%dma_start3A_297 : memref<1024x64xf32, #tpu.memory_space<hbm>>) target(%dma_start3A_292 : memref<128x64xf32, #tpu.memory_space<vmem>>) offsets(%dma_start3A_294 : memref<128xi32, #tpu.memory_space<vmem>>) semaphore(%arg8 : memref<!tpu.dma_semaphore, #tpu.memory_space<semaphore_mem>>)
    %dma_wait3A_298 = arith.constant 5 : i32
    %dma_wait3A_299 = arith.constant 0 : i32
    %dma_wait3A_300 = arith.constant 0 : i32
    %dma_wait3A_301 = tpu.memref_slice %arg6[%dma_wait3A_298, %dma_wait3A_299, %dma_wait3A_300] : memref<8x128x64xf32, #tpu.memory_space<vmem>> -> memref<1x128x64xf32, #tpu.memory_space<vmem>>
    %dma_wait3A_302 = tpu.memref_squeeze %dma_wait3A_301 : memref<1x128x64xf32, #tpu.memory_space<vmem>> -> memref<128x64xf32, #tpu.memory_space<vmem>>
    %dma_wait3A_303 = arith.constant 640 : i32
    %dma_wait3A_304 = tpu.memref_slice %arg5[%dma_wait3A_303] : memref<2048xi32, #tpu.memory_space<vmem>> -> memref<128xi32, #tpu.memory_space<vmem>>
    %dma_wait3A_305 = arith.constant 0 : i32
    %dma_wait3A_306 = arith.constant 0 : i32
    %dma_wait3A_307 = tpu.memref_slice %arg2[%dma_wait3A_305, %dma_wait3A_306] : memref<1024x64xf32, #tpu.memory_space<hbm>> -> memref<1024x64xf32, #tpu.memory_space<hbm>>
    tpu.wait_indirect_dma semaphore(%arg8 : memref<!tpu.dma_semaphore, #tpu.memory_space<semaphore_mem>>) src(%dma_wait3A_307 : memref<1024x64xf32, #tpu.memory_space<hbm>>) dst(%dma_wait3A_302 : memref<128x64xf32, #tpu.memory_space<vmem>>)
    %add3A_308 = arith.constant 640 : i32
    %add3A_309 = arith.addi %mul3A_2, %add3A_308 : i32
    %dma_start3A_310 = arith.constant 5 : i32
    %dma_start3A_311 = arith.constant 0 : i32
    %dma_start3A_312 = arith.constant 0 : i32
    %dma_start3A_313 = tpu.memref_slice %arg6[%dma_start3A_310, %dma_start3A_311, %dma_start3A_312] : memref<8x128x64xf32, #tpu.memory_space<vmem>> -> memref<1x128x64xf32, #tpu.memory_space<vmem>>
    %dma_start3A_314 = tpu.memref_squeeze %dma_start3A_313 : memref<1x128x64xf32, #tpu.memory_space<vmem>> -> memref<128x64xf32, #tpu.memory_space<vmem>>
    %dma_start3A_315 = arith.constant 0 : i32
    %dma_start3A_316 = tpu.memref_slice %arg4[%add3A_309, %dma_start3A_315] : memref<65536x64xf32, #tpu.memory_space<hbm>> -> memref<128x64xf32, #tpu.memory_space<hbm>>
    %dma_start3A_317 = arith.constant 0 : i32
    %dma_start3A_318 = tpu.memref_slice %arg4[%add3A_309, %dma_start3A_317] : memref<65536x64xf32, #tpu.memory_space<hbm>> -> memref<128x64xf32, #tpu.memory_space<hbm>>
    %dma_start3A_319 = arith.constant 0 : i32
    %dma_start3A_320 = arith.constant 0 : i32
    %dma_start3A_321 = tpu.memref_slice %arg6[%dma_start3A_310, %dma_start3A_319, %dma_start3A_320] : memref<8x128x64xf32, #tpu.memory_space<vmem>> -> memref<1x128x64xf32, #tpu.memory_space<vmem>>
    %dma_start3A_322 = tpu.memref_squeeze %dma_start3A_321 : memref<1x128x64xf32, #tpu.memory_space<vmem>> -> memref<128x64xf32, #tpu.memory_space<vmem>>
    tpu.enqueue_dma source(%dma_start3A_322 : memref<128x64xf32, #tpu.memory_space<vmem>>) target(%dma_start3A_318 : memref<128x64xf32, #tpu.memory_space<hbm>>) target_semaphore(%arg9 : memref<!tpu.dma_semaphore, #tpu.memory_space<semaphore_mem>>)
    %dma_wait3A_323 = arith.constant 4 : i32
    %dma_wait3A_324 = arith.constant 0 : i32
    %dma_wait3A_325 = arith.constant 0 : i32
    %dma_wait3A_326 = tpu.memref_slice %arg6[%dma_wait3A_323, %dma_wait3A_324, %dma_wait3A_325] : memref<8x128x64xf32, #tpu.memory_space<vmem>> -> memref<1x128x64xf32, #tpu.memory_space<vmem>>
    %dma_wait3A_327 = tpu.memref_squeeze %dma_wait3A_326 : memref<1x128x64xf32, #tpu.memory_space<vmem>> -> memref<128x64xf32, #tpu.memory_space<vmem>>
    %dma_wait3A_328 = arith.constant 0 : i32
    %dma_wait3A_329 = tpu.memref_slice %arg4[%add3A_261, %dma_wait3A_328] : memref<65536x64xf32, #tpu.memory_space<hbm>> -> memref<128x64xf32, #tpu.memory_space<hbm>>
    %dma_wait3A_330 = arith.constant 0 : i32
    %dma_wait3A_331 = tpu.memref_slice %arg4[%add3A_261, %dma_wait3A_330] : memref<65536x64xf32, #tpu.memory_space<hbm>> -> memref<128x64xf32, #tpu.memory_space<hbm>>
    %dma_wait3A_332 = arith.constant 0 : i32
    %dma_wait3A_333 = arith.constant 0 : i32
    %dma_wait3A_334 = tpu.memref_slice %arg6[%dma_wait3A_323, %dma_wait3A_332, %dma_wait3A_333] : memref<8x128x64xf32, #tpu.memory_space<vmem>> -> memref<1x128x64xf32, #tpu.memory_space<vmem>>
    %dma_wait3A_335 = tpu.memref_squeeze %dma_wait3A_334 : memref<1x128x64xf32, #tpu.memory_space<vmem>> -> memref<128x64xf32, #tpu.memory_space<vmem>>
    tpu.wait_dma2 semaphore(%arg9 : memref<!tpu.dma_semaphore, #tpu.memory_space<semaphore_mem>>) src(%dma_wait3A_335 : memref<128x64xf32, #tpu.memory_space<vmem>>) dst(%dma_wait3A_331 : memref<128x64xf32, #tpu.memory_space<hbm>>)
    %dma_start3A_336 = arith.constant 4 : i32
    %dma_start3A_337 = arith.constant 0 : i32
    %dma_start3A_338 = arith.constant 0 : i32
    %dma_start3A_339 = tpu.memref_slice %arg6[%dma_start3A_336, %dma_start3A_337, %dma_start3A_338] : memref<8x128x64xf32, #tpu.memory_space<vmem>> -> memref<1x128x64xf32, #tpu.memory_space<vmem>>
    %dma_start3A_340 = tpu.memref_squeeze %dma_start3A_339 : memref<1x128x64xf32, #tpu.memory_space<vmem>> -> memref<128x64xf32, #tpu.memory_space<vmem>>
    %dma_start3A_341 = arith.constant 1536 : i32
    %dma_start3A_342 = tpu.memref_slice %arg5[%dma_start3A_341] : memref<2048xi32, #tpu.memory_space<vmem>> -> memref<128xi32, #tpu.memory_space<vmem>>
    %dma_start3A_343 = arith.constant 0 : i32
    %dma_start3A_344 = arith.constant 0 : i32
    %dma_start3A_345 = tpu.memref_slice %arg2[%dma_start3A_343, %dma_start3A_344] : memref<1024x64xf32, #tpu.memory_space<hbm>> -> memref<1024x64xf32, #tpu.memory_space<hbm>>
    tpu.enqueue_indirect_dma source(%dma_start3A_345 : memref<1024x64xf32, #tpu.memory_space<hbm>>) target(%dma_start3A_340 : memref<128x64xf32, #tpu.memory_space<vmem>>) offsets(%dma_start3A_342 : memref<128xi32, #tpu.memory_space<vmem>>) semaphore(%arg7 : memref<!tpu.dma_semaphore, #tpu.memory_space<semaphore_mem>>)
    %dma_wait3A_346 = arith.constant 6 : i32
    %dma_wait3A_347 = arith.constant 0 : i32
    %dma_wait3A_348 = arith.constant 0 : i32
    %dma_wait3A_349 = tpu.memref_slice %arg6[%dma_wait3A_346, %dma_wait3A_347, %dma_wait3A_348] : memref<8x128x64xf32, #tpu.memory_space<vmem>> -> memref<1x128x64xf32, #tpu.memory_space<vmem>>
    %dma_wait3A_350 = tpu.memref_squeeze %dma_wait3A_349 : memref<1x128x64xf32, #tpu.memory_space<vmem>> -> memref<128x64xf32, #tpu.memory_space<vmem>>
    %dma_wait3A_351 = arith.constant 768 : i32
    %dma_wait3A_352 = tpu.memref_slice %arg5[%dma_wait3A_351] : memref<2048xi32, #tpu.memory_space<vmem>> -> memref<128xi32, #tpu.memory_space<vmem>>
    %dma_wait3A_353 = arith.constant 0 : i32
    %dma_wait3A_354 = arith.constant 0 : i32
    %dma_wait3A_355 = tpu.memref_slice %arg2[%dma_wait3A_353, %dma_wait3A_354] : memref<1024x64xf32, #tpu.memory_space<hbm>> -> memref<1024x64xf32, #tpu.memory_space<hbm>>
    tpu.wait_indirect_dma semaphore(%arg7 : memref<!tpu.dma_semaphore, #tpu.memory_space<semaphore_mem>>) src(%dma_wait3A_355 : memref<1024x64xf32, #tpu.memory_space<hbm>>) dst(%dma_wait3A_350 : memref<128x64xf32, #tpu.memory_space<vmem>>)
    %add3A_356 = arith.constant 768 : i32
    %add3A_357 = arith.addi %mul3A_2, %add3A_356 : i32
    %dma_start3A_358 = arith.constant 6 : i32
    %dma_start3A_359 = arith.constant 0 : i32
    %dma_start3A_360 = arith.constant 0 : i32
    %dma_start3A_361 = tpu.memref_slice %arg6[%dma_start3A_358, %dma_start3A_359, %dma_start3A_360] : memref<8x128x64xf32, #tpu.memory_space<vmem>> -> memref<1x128x64xf32, #tpu.memory_space<vmem>>
    %dma_start3A_362 = tpu.memref_squeeze %dma_start3A_361 : memref<1x128x64xf32, #tpu.memory_space<vmem>> -> memref<128x64xf32, #tpu.memory_space<vmem>>
    %dma_start3A_363 = arith.constant 0 : i32
    %dma_start3A_364 = tpu.memref_slice %arg4[%add3A_357, %dma_start3A_363] : memref<65536x64xf32, #tpu.memory_space<hbm>> -> memref<128x64xf32, #tpu.memory_space<hbm>>
    %dma_start3A_365 = arith.constant 0 : i32
    %dma_start3A_366 = tpu.memref_slice %arg4[%add3A_357, %dma_start3A_365] : memref<65536x64xf32, #tpu.memory_space<hbm>> -> memref<128x64xf32, #tpu.memory_space<hbm>>
    %dma_start3A_367 = arith.constant 0 : i32
    %dma_start3A_368 = arith.constant 0 : i32
    %dma_start3A_369 = tpu.memref_slice %arg6[%dma_start3A_358, %dma_start3A_367, %dma_start3A_368] : memref<8x128x64xf32, #tpu.memory_space<vmem>> -> memref<1x128x64xf32, #tpu.memory_space<vmem>>
    %dma_start3A_370 = tpu.memref_squeeze %dma_start3A_369 : memref<1x128x64xf32, #tpu.memory_space<vmem>> -> memref<128x64xf32, #tpu.memory_space<vmem>>
    tpu.enqueue_dma source(%dma_start3A_370 : memref<128x64xf32, #tpu.memory_space<vmem>>) target(%dma_start3A_366 : memref<128x64xf32, #tpu.memory_space<hbm>>) target_semaphore(%arg9 : memref<!tpu.dma_semaphore, #tpu.memory_space<semaphore_mem>>)
    %dma_wait3A_371 = arith.constant 5 : i32
    %dma_wait3A_372 = arith.constant 0 : i32
    %dma_wait3A_373 = arith.constant 0 : i32
    %dma_wait3A_374 = tpu.memref_slice %arg6[%dma_wait3A_371, %dma_wait3A_372, %dma_wait3A_373] : memref<8x128x64xf32, #tpu.memory_space<vmem>> -> memref<1x128x64xf32, #tpu.memory_space<vmem>>
    %dma_wait3A_375 = tpu.memref_squeeze %dma_wait3A_374 : memref<1x128x64xf32, #tpu.memory_space<vmem>> -> memref<128x64xf32, #tpu.memory_space<vmem>>
    %dma_wait3A_376 = arith.constant 0 : i32
    %dma_wait3A_377 = tpu.memref_slice %arg4[%add3A_309, %dma_wait3A_376] : memref<65536x64xf32, #tpu.memory_space<hbm>> -> memref<128x64xf32, #tpu.memory_space<hbm>>
    %dma_wait3A_378 = arith.constant 0 : i32
    %dma_wait3A_379 = tpu.memref_slice %arg4[%add3A_309, %dma_wait3A_378] : memref<65536x64xf32, #tpu.memory_space<hbm>> -> memref<128x64xf32, #tpu.memory_space<hbm>>
    %dma_wait3A_380 = arith.constant 0 : i32
    %dma_wait3A_381 = arith.constant 0 : i32
    %dma_wait3A_382 = tpu.memref_slice %arg6[%dma_wait3A_371, %dma_wait3A_380, %dma_wait3A_381] : memref<8x128x64xf32, #tpu.memory_space<vmem>> -> memref<1x128x64xf32, #tpu.memory_space<vmem>>
    %dma_wait3A_383 = tpu.memref_squeeze %dma_wait3A_382 : memref<1x128x64xf32, #tpu.memory_space<vmem>> -> memref<128x64xf32, #tpu.memory_space<vmem>>
    tpu.wait_dma2 semaphore(%arg9 : memref<!tpu.dma_semaphore, #tpu.memory_space<semaphore_mem>>) src(%dma_wait3A_383 : memref<128x64xf32, #tpu.memory_space<vmem>>) dst(%dma_wait3A_379 : memref<128x64xf32, #tpu.memory_space<hbm>>)
    %dma_start3A_384 = arith.constant 5 : i32
    %dma_start3A_385 = arith.constant 0 : i32
    %dma_start3A_386 = arith.constant 0 : i32
    %dma_start3A_387 = tpu.memref_slice %arg6[%dma_start3A_384, %dma_start3A_385, %dma_start3A_386] : memref<8x128x64xf32, #tpu.memory_space<vmem>> -> memref<1x128x64xf32, #tpu.memory_space<vmem>>
    %dma_start3A_388 = tpu.memref_squeeze %dma_start3A_387 : memref<1x128x64xf32, #tpu.memory_space<vmem>> -> memref<128x64xf32, #tpu.memory_space<vmem>>
    %dma_start3A_389 = arith.constant 1664 : i32
    %dma_start3A_390 = tpu.memref_slice %arg5[%dma_start3A_389] : memref<2048xi32, #tpu.memory_space<vmem>> -> memref<128xi32, #tpu.memory_space<vmem>>
    %dma_start3A_391 = arith.constant 0 : i32
    %dma_start3A_392 = arith.constant 0 : i32
    %dma_start3A_393 = tpu.memref_slice %arg2[%dma_start3A_391, %dma_start3A_392] : memref<1024x64xf32, #tpu.memory_space<hbm>> -> memref<1024x64xf32, #tpu.memory_space<hbm>>
    tpu.enqueue_indirect_dma source(%dma_start3A_393 : memref<1024x64xf32, #tpu.memory_space<hbm>>) target(%dma_start3A_388 : memref<128x64xf32, #tpu.memory_space<vmem>>) offsets(%dma_start3A_390 : memref<128xi32, #tpu.memory_space<vmem>>) semaphore(%arg8 : memref<!tpu.dma_semaphore, #tpu.memory_space<semaphore_mem>>)
    %dma_wait3A_394 = arith.constant 7 : i32
    %dma_wait3A_395 = arith.constant 0 : i32
    %dma_wait3A_396 = arith.constant 0 : i32
    %dma_wait3A_397 = tpu.memref_slice %arg6[%dma_wait3A_394, %dma_wait3A_395, %dma_wait3A_396] : memref<8x128x64xf32, #tpu.memory_space<vmem>> -> memref<1x128x64xf32, #tpu.memory_space<vmem>>
    %dma_wait3A_398 = tpu.memref_squeeze %dma_wait3A_397 : memref<1x128x64xf32, #tpu.memory_space<vmem>> -> memref<128x64xf32, #tpu.memory_space<vmem>>
    %dma_wait3A_399 = arith.constant 896 : i32
    %dma_wait3A_400 = tpu.memref_slice %arg5[%dma_wait3A_399] : memref<2048xi32, #tpu.memory_space<vmem>> -> memref<128xi32, #tpu.memory_space<vmem>>
    %dma_wait3A_401 = arith.constant 0 : i32
    %dma_wait3A_402 = arith.constant 0 : i32
    %dma_wait3A_403 = tpu.memref_slice %arg2[%dma_wait3A_401, %dma_wait3A_402] : memref<1024x64xf32, #tpu.memory_space<hbm>> -> memref<1024x64xf32, #tpu.memory_space<hbm>>
    tpu.wait_indirect_dma semaphore(%arg8 : memref<!tpu.dma_semaphore, #tpu.memory_space<semaphore_mem>>) src(%dma_wait3A_403 : memref<1024x64xf32, #tpu.memory_space<hbm>>) dst(%dma_wait3A_398 : memref<128x64xf32, #tpu.memory_space<vmem>>)
    %add3A_404 = arith.constant 896 : i32
    %add3A_405 = arith.addi %mul3A_2, %add3A_404 : i32
    %dma_start3A_406 = arith.constant 7 : i32
    %dma_start3A_407 = arith.constant 0 : i32
    %dma_start3A_408 = arith.constant 0 : i32
    %dma_start3A_409 = tpu.memref_slice %arg6[%dma_start3A_406, %dma_start3A_407, %dma_start3A_408] : memref<8x128x64xf32, #tpu.memory_space<vmem>> -> memref<1x128x64xf32, #tpu.memory_space<vmem>>
    %dma_start3A_410 = tpu.memref_squeeze %dma_start3A_409 : memref<1x128x64xf32, #tpu.memory_space<vmem>> -> memref<128x64xf32, #tpu.memory_space<vmem>>
    %dma_start3A_411 = arith.constant 0 : i32
    %dma_start3A_412 = tpu.memref_slice %arg4[%add3A_405, %dma_start3A_411] : memref<65536x64xf32, #tpu.memory_space<hbm>> -> memref<128x64xf32, #tpu.memory_space<hbm>>
    %dma_start3A_413 = arith.constant 0 : i32
    %dma_start3A_414 = tpu.memref_slice %arg4[%add3A_405, %dma_start3A_413] : memref<65536x64xf32, #tpu.memory_space<hbm>> -> memref<128x64xf32, #tpu.memory_space<hbm>>
    %dma_start3A_415 = arith.constant 0 : i32
    %dma_start3A_416 = arith.constant 0 : i32
    %dma_start3A_417 = tpu.memref_slice %arg6[%dma_start3A_406, %dma_start3A_415, %dma_start3A_416] : memref<8x128x64xf32, #tpu.memory_space<vmem>> -> memref<1x128x64xf32, #tpu.memory_space<vmem>>
    %dma_start3A_418 = tpu.memref_squeeze %dma_start3A_417 : memref<1x128x64xf32, #tpu.memory_space<vmem>> -> memref<128x64xf32, #tpu.memory_space<vmem>>
    tpu.enqueue_dma source(%dma_start3A_418 : memref<128x64xf32, #tpu.memory_space<vmem>>) target(%dma_start3A_414 : memref<128x64xf32, #tpu.memory_space<hbm>>) target_semaphore(%arg9 : memref<!tpu.dma_semaphore, #tpu.memory_space<semaphore_mem>>)
    %dma_wait3A_419 = arith.constant 6 : i32
    %dma_wait3A_420 = arith.constant 0 : i32
    %dma_wait3A_421 = arith.constant 0 : i32
    %dma_wait3A_422 = tpu.memref_slice %arg6[%dma_wait3A_419, %dma_wait3A_420, %dma_wait3A_421] : memref<8x128x64xf32, #tpu.memory_space<vmem>> -> memref<1x128x64xf32, #tpu.memory_space<vmem>>
    %dma_wait3A_423 = tpu.memref_squeeze %dma_wait3A_422 : memref<1x128x64xf32, #tpu.memory_space<vmem>> -> memref<128x64xf32, #tpu.memory_space<vmem>>
    %dma_wait3A_424 = arith.constant 0 : i32
    %dma_wait3A_425 = tpu.memref_slice %arg4[%add3A_357, %dma_wait3A_424] : memref<65536x64xf32, #tpu.memory_space<hbm>> -> memref<128x64xf32, #tpu.memory_space<hbm>>
    %dma_wait3A_426 = arith.constant 0 : i32
    %dma_wait3A_427 = tpu.memref_slice %arg4[%add3A_357, %dma_wait3A_426] : memref<65536x64xf32, #tpu.memory_space<hbm>> -> memref<128x64xf32, #tpu.memory_space<hbm>>
    %dma_wait3A_428 = arith.constant 0 : i32
    %dma_wait3A_429 = arith.constant 0 : i32
    %dma_wait3A_430 = tpu.memref_slice %arg6[%dma_wait3A_419, %dma_wait3A_428, %dma_wait3A_429] : memref<8x128x64xf32, #tpu.memory_space<vmem>> -> memref<1x128x64xf32, #tpu.memory_space<vmem>>
    %dma_wait3A_431 = tpu.memref_squeeze %dma_wait3A_430 : memref<1x128x64xf32, #tpu.memory_space<vmem>> -> memref<128x64xf32, #tpu.memory_space<vmem>>
    tpu.wait_dma2 semaphore(%arg9 : memref<!tpu.dma_semaphore, #tpu.memory_space<semaphore_mem>>) src(%dma_wait3A_431 : memref<128x64xf32, #tpu.memory_space<vmem>>) dst(%dma_wait3A_427 : memref<128x64xf32, #tpu.memory_space<hbm>>)
    %dma_start3A_432 = arith.constant 6 : i32
    %dma_start3A_433 = arith.constant 0 : i32
    %dma_start3A_434 = arith.constant 0 : i32
    %dma_start3A_435 = tpu.memref_slice %arg6[%dma_start3A_432, %dma_start3A_433, %dma_start3A_434] : memref<8x128x64xf32, #tpu.memory_space<vmem>> -> memref<1x128x64xf32, #tpu.memory_space<vmem>>
    %dma_start3A_436 = tpu.memref_squeeze %dma_start3A_435 : memref<1x128x64xf32, #tpu.memory_space<vmem>> -> memref<128x64xf32, #tpu.memory_space<vmem>>
    %dma_start3A_437 = arith.constant 1792 : i32
    %dma_start3A_438 = tpu.memref_slice %arg5[%dma_start3A_437] : memref<2048xi32, #tpu.memory_space<vmem>> -> memref<128xi32, #tpu.memory_space<vmem>>
    %dma_start3A_439 = arith.constant 0 : i32
    %dma_start3A_440 = arith.constant 0 : i32
    %dma_start3A_441 = tpu.memref_slice %arg2[%dma_start3A_439, %dma_start3A_440] : memref<1024x64xf32, #tpu.memory_space<hbm>> -> memref<1024x64xf32, #tpu.memory_space<hbm>>
    tpu.enqueue_indirect_dma source(%dma_start3A_441 : memref<1024x64xf32, #tpu.memory_space<hbm>>) target(%dma_start3A_436 : memref<128x64xf32, #tpu.memory_space<vmem>>) offsets(%dma_start3A_438 : memref<128xi32, #tpu.memory_space<vmem>>) semaphore(%arg7 : memref<!tpu.dma_semaphore, #tpu.memory_space<semaphore_mem>>)
    %dma_wait3A_442 = arith.constant 0 : i32
    %dma_wait3A_443 = arith.constant 0 : i32
    %dma_wait3A_444 = arith.constant 0 : i32
    %dma_wait3A_445 = tpu.memref_slice %arg6[%dma_wait3A_442, %dma_wait3A_443, %dma_wait3A_444] : memref<8x128x64xf32, #tpu.memory_space<vmem>> -> memref<1x128x64xf32, #tpu.memory_space<vmem>>
    %dma_wait3A_446 = tpu.memref_squeeze %dma_wait3A_445 : memref<1x128x64xf32, #tpu.memory_space<vmem>> -> memref<128x64xf32, #tpu.memory_space<vmem>>
    %dma_wait3A_447 = arith.constant 1024 : i32
    %dma_wait3A_448 = tpu.memref_slice %arg5[%dma_wait3A_447] : memref<2048xi32, #tpu.memory_space<vmem>> -> memref<128xi32, #tpu.memory_space<vmem>>
    %dma_wait3A_449 = arith.constant 0 : i32
    %dma_wait3A_450 = arith.constant 0 : i32
    %dma_wait3A_451 = tpu.memref_slice %arg2[%dma_wait3A_449, %dma_wait3A_450] : memref<1024x64xf32, #tpu.memory_space<hbm>> -> memref<1024x64xf32, #tpu.memory_space<hbm>>
    tpu.wait_indirect_dma semaphore(%arg7 : memref<!tpu.dma_semaphore, #tpu.memory_space<semaphore_mem>>) src(%dma_wait3A_451 : memref<1024x64xf32, #tpu.memory_space<hbm>>) dst(%dma_wait3A_446 : memref<128x64xf32, #tpu.memory_space<vmem>>)
    %add3A_452 = arith.constant 1024 : i32
    %add3A_453 = arith.addi %mul3A_2, %add3A_452 : i32
    %dma_start3A_454 = arith.constant 0 : i32
    %dma_start3A_455 = arith.constant 0 : i32
    %dma_start3A_456 = arith.constant 0 : i32
    %dma_start3A_457 = tpu.memref_slice %arg6[%dma_start3A_454, %dma_start3A_455, %dma_start3A_456] : memref<8x128x64xf32, #tpu.memory_space<vmem>> -> memref<1x128x64xf32, #tpu.memory_space<vmem>>
    %dma_start3A_458 = tpu.memref_squeeze %dma_start3A_457 : memref<1x128x64xf32, #tpu.memory_space<vmem>> -> memref<128x64xf32, #tpu.memory_space<vmem>>
    %dma_start3A_459 = arith.constant 0 : i32
    %dma_start3A_460 = tpu.memref_slice %arg4[%add3A_453, %dma_start3A_459] : memref<65536x64xf32, #tpu.memory_space<hbm>> -> memref<128x64xf32, #tpu.memory_space<hbm>>
    %dma_start3A_461 = arith.constant 0 : i32
    %dma_start3A_462 = tpu.memref_slice %arg4[%add3A_453, %dma_start3A_461] : memref<65536x64xf32, #tpu.memory_space<hbm>> -> memref<128x64xf32, #tpu.memory_space<hbm>>
    %dma_start3A_463 = arith.constant 0 : i32
    %dma_start3A_464 = arith.constant 0 : i32
    %dma_start3A_465 = tpu.memref_slice %arg6[%dma_start3A_454, %dma_start3A_463, %dma_start3A_464] : memref<8x128x64xf32, #tpu.memory_space<vmem>> -> memref<1x128x64xf32, #tpu.memory_space<vmem>>
    %dma_start3A_466 = tpu.memref_squeeze %dma_start3A_465 : memref<1x128x64xf32, #tpu.memory_space<vmem>> -> memref<128x64xf32, #tpu.memory_space<vmem>>
    tpu.enqueue_dma source(%dma_start3A_466 : memref<128x64xf32, #tpu.memory_space<vmem>>) target(%dma_start3A_462 : memref<128x64xf32, #tpu.memory_space<hbm>>) target_semaphore(%arg9 : memref<!tpu.dma_semaphore, #tpu.memory_space<semaphore_mem>>)
    %dma_wait3A_467 = arith.constant 7 : i32
    %dma_wait3A_468 = arith.constant 0 : i32
    %dma_wait3A_469 = arith.constant 0 : i32
    %dma_wait3A_470 = tpu.memref_slice %arg6[%dma_wait3A_467, %dma_wait3A_468, %dma_wait3A_469] : memref<8x128x64xf32, #tpu.memory_space<vmem>> -> memref<1x128x64xf32, #tpu.memory_space<vmem>>
    %dma_wait3A_471 = tpu.memref_squeeze %dma_wait3A_470 : memref<1x128x64xf32, #tpu.memory_space<vmem>> -> memref<128x64xf32, #tpu.memory_space<vmem>>
    %dma_wait3A_472 = arith.constant 0 : i32
    %dma_wait3A_473 = tpu.memref_slice %arg4[%add3A_405, %dma_wait3A_472] : memref<65536x64xf32, #tpu.memory_space<hbm>> -> memref<128x64xf32, #tpu.memory_space<hbm>>
    %dma_wait3A_474 = arith.constant 0 : i32
    %dma_wait3A_475 = tpu.memref_slice %arg4[%add3A_405, %dma_wait3A_474] : memref<65536x64xf32, #tpu.memory_space<hbm>> -> memref<128x64xf32, #tpu.memory_space<hbm>>
    %dma_wait3A_476 = arith.constant 0 : i32
    %dma_wait3A_477 = arith.constant 0 : i32
    %dma_wait3A_478 = tpu.memref_slice %arg6[%dma_wait3A_467, %dma_wait3A_476, %dma_wait3A_477] : memref<8x128x64xf32, #tpu.memory_space<vmem>> -> memref<1x128x64xf32, #tpu.memory_space<vmem>>
    %dma_wait3A_479 = tpu.memref_squeeze %dma_wait3A_478 : memref<1x128x64xf32, #tpu.memory_space<vmem>> -> memref<128x64xf32, #tpu.memory_space<vmem>>
    tpu.wait_dma2 semaphore(%arg9 : memref<!tpu.dma_semaphore, #tpu.memory_space<semaphore_mem>>) src(%dma_wait3A_479 : memref<128x64xf32, #tpu.memory_space<vmem>>) dst(%dma_wait3A_475 : memref<128x64xf32, #tpu.memory_space<hbm>>)
    %dma_start3A_480 = arith.constant 7 : i32
    %dma_start3A_481 = arith.constant 0 : i32
    %dma_start3A_482 = arith.constant 0 : i32
    %dma_start3A_483 = tpu.memref_slice %arg6[%dma_start3A_480, %dma_start3A_481, %dma_start3A_482] : memref<8x128x64xf32, #tpu.memory_space<vmem>> -> memref<1x128x64xf32, #tpu.memory_space<vmem>>
    %dma_start3A_484 = tpu.memref_squeeze %dma_start3A_483 : memref<1x128x64xf32, #tpu.memory_space<vmem>> -> memref<128x64xf32, #tpu.memory_space<vmem>>
    %dma_start3A_485 = arith.constant 1920 : i32
    %dma_start3A_486 = tpu.memref_slice %arg5[%dma_start3A_485] : memref<2048xi32, #tpu.memory_space<vmem>> -> memref<128xi32, #tpu.memory_space<vmem>>
    %dma_start3A_487 = arith.constant 0 : i32
    %dma_start3A_488 = arith.constant 0 : i32
    %dma_start3A_489 = tpu.memref_slice %arg2[%dma_start3A_487, %dma_start3A_488] : memref<1024x64xf32, #tpu.memory_space<hbm>> -> memref<1024x64xf32, #tpu.memory_space<hbm>>
    tpu.enqueue_indirect_dma source(%dma_start3A_489 : memref<1024x64xf32, #tpu.memory_space<hbm>>) target(%dma_start3A_484 : memref<128x64xf32, #tpu.memory_space<vmem>>) offsets(%dma_start3A_486 : memref<128xi32, #tpu.memory_space<vmem>>) semaphore(%arg8 : memref<!tpu.dma_semaphore, #tpu.memory_space<semaphore_mem>>)
    %dma_wait3A_490 = arith.constant 1 : i32
    %dma_wait3A_491 = arith.constant 0 : i32
    %dma_wait3A_492 = arith.constant 0 : i32
    %dma_wait3A_493 = tpu.memref_slice %arg6[%dma_wait3A_490, %dma_wait3A_491, %dma_wait3A_492] : memref<8x128x64xf32, #tpu.memory_space<vmem>> -> memref<1x128x64xf32, #tpu.memory_space<vmem>>
    %dma_wait3A_494 = tpu.memref_squeeze %dma_wait3A_493 : memref<1x128x64xf32, #tpu.memory_space<vmem>> -> memref<128x64xf32, #tpu.memory_space<vmem>>
    %dma_wait3A_495 = arith.constant 1152 : i32
    %dma_wait3A_496 = tpu.memref_slice %arg5[%dma_wait3A_495] : memref<2048xi32, #tpu.memory_space<vmem>> -> memref<128xi32, #tpu.memory_space<vmem>>
    %dma_wait3A_497 = arith.constant 0 : i32
    %dma_wait3A_498 = arith.constant 0 : i32
    %dma_wait3A_499 = tpu.memref_slice %arg2[%dma_wait3A_497, %dma_wait3A_498] : memref<1024x64xf32, #tpu.memory_space<hbm>> -> memref<1024x64xf32, #tpu.memory_space<hbm>>
    tpu.wait_indirect_dma semaphore(%arg8 : memref<!tpu.dma_semaphore, #tpu.memory_space<semaphore_mem>>) src(%dma_wait3A_499 : memref<1024x64xf32, #tpu.memory_space<hbm>>) dst(%dma_wait3A_494 : memref<128x64xf32, #tpu.memory_space<vmem>>)
    %add3A_500 = arith.constant 1152 : i32
    %add3A_501 = arith.addi %mul3A_2, %add3A_500 : i32
    %dma_start3A_502 = arith.constant 1 : i32
    %dma_start3A_503 = arith.constant 0 : i32
    %dma_start3A_504 = arith.constant 0 : i32
    %dma_start3A_505 = tpu.memref_slice %arg6[%dma_start3A_502, %dma_start3A_503, %dma_start3A_504] : memref<8x128x64xf32, #tpu.memory_space<vmem>> -> memref<1x128x64xf32, #tpu.memory_space<vmem>>
    %dma_start3A_506 = tpu.memref_squeeze %dma_start3A_505 : memref<1x128x64xf32, #tpu.memory_space<vmem>> -> memref<128x64xf32, #tpu.memory_space<vmem>>
    %dma_start3A_507 = arith.constant 0 : i32
    %dma_start3A_508 = tpu.memref_slice %arg4[%add3A_501, %dma_start3A_507] : memref<65536x64xf32, #tpu.memory_space<hbm>> -> memref<128x64xf32, #tpu.memory_space<hbm>>
    %dma_start3A_509 = arith.constant 0 : i32
    %dma_start3A_510 = tpu.memref_slice %arg4[%add3A_501, %dma_start3A_509] : memref<65536x64xf32, #tpu.memory_space<hbm>> -> memref<128x64xf32, #tpu.memory_space<hbm>>
    %dma_start3A_511 = arith.constant 0 : i32
    %dma_start3A_512 = arith.constant 0 : i32
    %dma_start3A_513 = tpu.memref_slice %arg6[%dma_start3A_502, %dma_start3A_511, %dma_start3A_512] : memref<8x128x64xf32, #tpu.memory_space<vmem>> -> memref<1x128x64xf32, #tpu.memory_space<vmem>>
    %dma_start3A_514 = tpu.memref_squeeze %dma_start3A_513 : memref<1x128x64xf32, #tpu.memory_space<vmem>> -> memref<128x64xf32, #tpu.memory_space<vmem>>
    tpu.enqueue_dma source(%dma_start3A_514 : memref<128x64xf32, #tpu.memory_space<vmem>>) target(%dma_start3A_510 : memref<128x64xf32, #tpu.memory_space<hbm>>) target_semaphore(%arg9 : memref<!tpu.dma_semaphore, #tpu.memory_space<semaphore_mem>>)
    %dma_wait3A_515 = arith.constant 2 : i32
    %dma_wait3A_516 = arith.constant 0 : i32
    %dma_wait3A_517 = arith.constant 0 : i32
    %dma_wait3A_518 = tpu.memref_slice %arg6[%dma_wait3A_515, %dma_wait3A_516, %dma_wait3A_517] : memref<8x128x64xf32, #tpu.memory_space<vmem>> -> memref<1x128x64xf32, #tpu.memory_space<vmem>>
    %dma_wait3A_519 = tpu.memref_squeeze %dma_wait3A_518 : memref<1x128x64xf32, #tpu.memory_space<vmem>> -> memref<128x64xf32, #tpu.memory_space<vmem>>
    %dma_wait3A_520 = arith.constant 1280 : i32
    %dma_wait3A_521 = tpu.memref_slice %arg5[%dma_wait3A_520] : memref<2048xi32, #tpu.memory_space<vmem>> -> memref<128xi32, #tpu.memory_space<vmem>>
    %dma_wait3A_522 = arith.constant 0 : i32
    %dma_wait3A_523 = arith.constant 0 : i32
    %dma_wait3A_524 = tpu.memref_slice %arg2[%dma_wait3A_522, %dma_wait3A_523] : memref<1024x64xf32, #tpu.memory_space<hbm>> -> memref<1024x64xf32, #tpu.memory_space<hbm>>
    tpu.wait_indirect_dma semaphore(%arg7 : memref<!tpu.dma_semaphore, #tpu.memory_space<semaphore_mem>>) src(%dma_wait3A_524 : memref<1024x64xf32, #tpu.memory_space<hbm>>) dst(%dma_wait3A_519 : memref<128x64xf32, #tpu.memory_space<vmem>>)
    %add3A_525 = arith.constant 1280 : i32
    %add3A_526 = arith.addi %mul3A_2, %add3A_525 : i32
    %dma_start3A_527 = arith.constant 2 : i32
    %dma_start3A_528 = arith.constant 0 : i32
    %dma_start3A_529 = arith.constant 0 : i32
    %dma_start3A_530 = tpu.memref_slice %arg6[%dma_start3A_527, %dma_start3A_528, %dma_start3A_529] : memref<8x128x64xf32, #tpu.memory_space<vmem>> -> memref<1x128x64xf32, #tpu.memory_space<vmem>>
    %dma_start3A_531 = tpu.memref_squeeze %dma_start3A_530 : memref<1x128x64xf32, #tpu.memory_space<vmem>> -> memref<128x64xf32, #tpu.memory_space<vmem>>
    %dma_start3A_532 = arith.constant 0 : i32
    %dma_start3A_533 = tpu.memref_slice %arg4[%add3A_526, %dma_start3A_532] : memref<65536x64xf32, #tpu.memory_space<hbm>> -> memref<128x64xf32, #tpu.memory_space<hbm>>
    %dma_start3A_534 = arith.constant 0 : i32
    %dma_start3A_535 = tpu.memref_slice %arg4[%add3A_526, %dma_start3A_534] : memref<65536x64xf32, #tpu.memory_space<hbm>> -> memref<128x64xf32, #tpu.memory_space<hbm>>
    %dma_start3A_536 = arith.constant 0 : i32
    %dma_start3A_537 = arith.constant 0 : i32
    %dma_start3A_538 = tpu.memref_slice %arg6[%dma_start3A_527, %dma_start3A_536, %dma_start3A_537] : memref<8x128x64xf32, #tpu.memory_space<vmem>> -> memref<1x128x64xf32, #tpu.memory_space<vmem>>
    %dma_start3A_539 = tpu.memref_squeeze %dma_start3A_538 : memref<1x128x64xf32, #tpu.memory_space<vmem>> -> memref<128x64xf32, #tpu.memory_space<vmem>>
    tpu.enqueue_dma source(%dma_start3A_539 : memref<128x64xf32, #tpu.memory_space<vmem>>) target(%dma_start3A_535 : memref<128x64xf32, #tpu.memory_space<hbm>>) target_semaphore(%arg9 : memref<!tpu.dma_semaphore, #tpu.memory_space<semaphore_mem>>)
    %dma_wait3A_540 = arith.constant 3 : i32
    %dma_wait3A_541 = arith.constant 0 : i32
    %dma_wait3A_542 = arith.constant 0 : i32
    %dma_wait3A_543 = tpu.memref_slice %arg6[%dma_wait3A_540, %dma_wait3A_541, %dma_wait3A_542] : memref<8x128x64xf32, #tpu.memory_space<vmem>> -> memref<1x128x64xf32, #tpu.memory_space<vmem>>
    %dma_wait3A_544 = tpu.memref_squeeze %dma_wait3A_543 : memref<1x128x64xf32, #tpu.memory_space<vmem>> -> memref<128x64xf32, #tpu.memory_space<vmem>>
    %dma_wait3A_545 = arith.constant 1408 : i32
    %dma_wait3A_546 = tpu.memref_slice %arg5[%dma_wait3A_545] : memref<2048xi32, #tpu.memory_space<vmem>> -> memref<128xi32, #tpu.memory_space<vmem>>
    %dma_wait3A_547 = arith.constant 0 : i32
    %dma_wait3A_548 = arith.constant 0 : i32
    %dma_wait3A_549 = tpu.memref_slice %arg2[%dma_wait3A_547, %dma_wait3A_548] : memref<1024x64xf32, #tpu.memory_space<hbm>> -> memref<1024x64xf32, #tpu.memory_space<hbm>>
    tpu.wait_indirect_dma semaphore(%arg8 : memref<!tpu.dma_semaphore, #tpu.memory_space<semaphore_mem>>) src(%dma_wait3A_549 : memref<1024x64xf32, #tpu.memory_space<hbm>>) dst(%dma_wait3A_544 : memref<128x64xf32, #tpu.memory_space<vmem>>)
    %add3A_550 = arith.constant 1408 : i32
    %add3A_551 = arith.addi %mul3A_2, %add3A_550 : i32
    %dma_start3A_552 = arith.constant 3 : i32
    %dma_start3A_553 = arith.constant 0 : i32
    %dma_start3A_554 = arith.constant 0 : i32
    %dma_start3A_555 = tpu.memref_slice %arg6[%dma_start3A_552, %dma_start3A_553, %dma_start3A_554] : memref<8x128x64xf32, #tpu.memory_space<vmem>> -> memref<1x128x64xf32, #tpu.memory_space<vmem>>
    %dma_start3A_556 = tpu.memref_squeeze %dma_start3A_555 : memref<1x128x64xf32, #tpu.memory_space<vmem>> -> memref<128x64xf32, #tpu.memory_space<vmem>>
    %dma_start3A_557 = arith.constant 0 : i32
    %dma_start3A_558 = tpu.memref_slice %arg4[%add3A_551, %dma_start3A_557] : memref<65536x64xf32, #tpu.memory_space<hbm>> -> memref<128x64xf32, #tpu.memory_space<hbm>>
    %dma_start3A_559 = arith.constant 0 : i32
    %dma_start3A_560 = tpu.memref_slice %arg4[%add3A_551, %dma_start3A_559] : memref<65536x64xf32, #tpu.memory_space<hbm>> -> memref<128x64xf32, #tpu.memory_space<hbm>>
    %dma_start3A_561 = arith.constant 0 : i32
    %dma_start3A_562 = arith.constant 0 : i32
    %dma_start3A_563 = tpu.memref_slice %arg6[%dma_start3A_552, %dma_start3A_561, %dma_start3A_562] : memref<8x128x64xf32, #tpu.memory_space<vmem>> -> memref<1x128x64xf32, #tpu.memory_space<vmem>>
    %dma_start3A_564 = tpu.memref_squeeze %dma_start3A_563 : memref<1x128x64xf32, #tpu.memory_space<vmem>> -> memref<128x64xf32, #tpu.memory_space<vmem>>
    tpu.enqueue_dma source(%dma_start3A_564 : memref<128x64xf32, #tpu.memory_space<vmem>>) target(%dma_start3A_560 : memref<128x64xf32, #tpu.memory_space<hbm>>) target_semaphore(%arg9 : memref<!tpu.dma_semaphore, #tpu.memory_space<semaphore_mem>>)
    %dma_wait3A_565 = arith.constant 4 : i32
    %dma_wait3A_566 = arith.constant 0 : i32
    %dma_wait3A_567 = arith.constant 0 : i32
    %dma_wait3A_568 = tpu.memref_slice %arg6[%dma_wait3A_565, %dma_wait3A_566, %dma_wait3A_567] : memref<8x128x64xf32, #tpu.memory_space<vmem>> -> memref<1x128x64xf32, #tpu.memory_space<vmem>>
    %dma_wait3A_569 = tpu.memref_squeeze %dma_wait3A_568 : memref<1x128x64xf32, #tpu.memory_space<vmem>> -> memref<128x64xf32, #tpu.memory_space<vmem>>
    %dma_wait3A_570 = arith.constant 1536 : i32
    %dma_wait3A_571 = tpu.memref_slice %arg5[%dma_wait3A_570] : memref<2048xi32, #tpu.memory_space<vmem>> -> memref<128xi32, #tpu.memory_space<vmem>>
    %dma_wait3A_572 = arith.constant 0 : i32
    %dma_wait3A_573 = arith.constant 0 : i32
    %dma_wait3A_574 = tpu.memref_slice %arg2[%dma_wait3A_572, %dma_wait3A_573] : memref<1024x64xf32, #tpu.memory_space<hbm>> -> memref<1024x64xf32, #tpu.memory_space<hbm>>
    tpu.wait_indirect_dma semaphore(%arg7 : memref<!tpu.dma_semaphore, #tpu.memory_space<semaphore_mem>>) src(%dma_wait3A_574 : memref<1024x64xf32, #tpu.memory_space<hbm>>) dst(%dma_wait3A_569 : memref<128x64xf32, #tpu.memory_space<vmem>>)
    %add3A_575 = arith.constant 1536 : i32
    %add3A_576 = arith.addi %mul3A_2, %add3A_575 : i32
    %dma_start3A_577 = arith.constant 4 : i32
    %dma_start3A_578 = arith.constant 0 : i32
    %dma_start3A_579 = arith.constant 0 : i32
    %dma_start3A_580 = tpu.memref_slice %arg6[%dma_start3A_577, %dma_start3A_578, %dma_start3A_579] : memref<8x128x64xf32, #tpu.memory_space<vmem>> -> memref<1x128x64xf32, #tpu.memory_space<vmem>>
    %dma_start3A_581 = tpu.memref_squeeze %dma_start3A_580 : memref<1x128x64xf32, #tpu.memory_space<vmem>> -> memref<128x64xf32, #tpu.memory_space<vmem>>
    %dma_start3A_582 = arith.constant 0 : i32
    %dma_start3A_583 = tpu.memref_slice %arg4[%add3A_576, %dma_start3A_582] : memref<65536x64xf32, #tpu.memory_space<hbm>> -> memref<128x64xf32, #tpu.memory_space<hbm>>
    %dma_start3A_584 = arith.constant 0 : i32
    %dma_start3A_585 = tpu.memref_slice %arg4[%add3A_576, %dma_start3A_584] : memref<65536x64xf32, #tpu.memory_space<hbm>> -> memref<128x64xf32, #tpu.memory_space<hbm>>
    %dma_start3A_586 = arith.constant 0 : i32
    %dma_start3A_587 = arith.constant 0 : i32
    %dma_start3A_588 = tpu.memref_slice %arg6[%dma_start3A_577, %dma_start3A_586, %dma_start3A_587] : memref<8x128x64xf32, #tpu.memory_space<vmem>> -> memref<1x128x64xf32, #tpu.memory_space<vmem>>
    %dma_start3A_589 = tpu.memref_squeeze %dma_start3A_588 : memref<1x128x64xf32, #tpu.memory_space<vmem>> -> memref<128x64xf32, #tpu.memory_space<vmem>>
    tpu.enqueue_dma source(%dma_start3A_589 : memref<128x64xf32, #tpu.memory_space<vmem>>) target(%dma_start3A_585 : memref<128x64xf32, #tpu.memory_space<hbm>>) target_semaphore(%arg9 : memref<!tpu.dma_semaphore, #tpu.memory_space<semaphore_mem>>)
    %dma_wait3A_590 = arith.constant 5 : i32
    %dma_wait3A_591 = arith.constant 0 : i32
    %dma_wait3A_592 = arith.constant 0 : i32
    %dma_wait3A_593 = tpu.memref_slice %arg6[%dma_wait3A_590, %dma_wait3A_591, %dma_wait3A_592] : memref<8x128x64xf32, #tpu.memory_space<vmem>> -> memref<1x128x64xf32, #tpu.memory_space<vmem>>
    %dma_wait3A_594 = tpu.memref_squeeze %dma_wait3A_593 : memref<1x128x64xf32, #tpu.memory_space<vmem>> -> memref<128x64xf32, #tpu.memory_space<vmem>>
    %dma_wait3A_595 = arith.constant 1664 : i32
    %dma_wait3A_596 = tpu.memref_slice %arg5[%dma_wait3A_595] : memref<2048xi32, #tpu.memory_space<vmem>> -> memref<128xi32, #tpu.memory_space<vmem>>
    %dma_wait3A_597 = arith.constant 0 : i32
    %dma_wait3A_598 = arith.constant 0 : i32
    %dma_wait3A_599 = tpu.memref_slice %arg2[%dma_wait3A_597, %dma_wait3A_598] : memref<1024x64xf32, #tpu.memory_space<hbm>> -> memref<1024x64xf32, #tpu.memory_space<hbm>>
    tpu.wait_indirect_dma semaphore(%arg8 : memref<!tpu.dma_semaphore, #tpu.memory_space<semaphore_mem>>) src(%dma_wait3A_599 : memref<1024x64xf32, #tpu.memory_space<hbm>>) dst(%dma_wait3A_594 : memref<128x64xf32, #tpu.memory_space<vmem>>)
    %add3A_600 = arith.constant 1664 : i32
    %add3A_601 = arith.addi %mul3A_2, %add3A_600 : i32
    %dma_start3A_602 = arith.constant 5 : i32
    %dma_start3A_603 = arith.constant 0 : i32
    %dma_start3A_604 = arith.constant 0 : i32
    %dma_start3A_605 = tpu.memref_slice %arg6[%dma_start3A_602, %dma_start3A_603, %dma_start3A_604] : memref<8x128x64xf32, #tpu.memory_space<vmem>> -> memref<1x128x64xf32, #tpu.memory_space<vmem>>
    %dma_start3A_606 = tpu.memref_squeeze %dma_start3A_605 : memref<1x128x64xf32, #tpu.memory_space<vmem>> -> memref<128x64xf32, #tpu.memory_space<vmem>>
    %dma_start3A_607 = arith.constant 0 : i32
    %dma_start3A_608 = tpu.memref_slice %arg4[%add3A_601, %dma_start3A_607] : memref<65536x64xf32, #tpu.memory_space<hbm>> -> memref<128x64xf32, #tpu.memory_space<hbm>>
    %dma_start3A_609 = arith.constant 0 : i32
    %dma_start3A_610 = tpu.memref_slice %arg4[%add3A_601, %dma_start3A_609] : memref<65536x64xf32, #tpu.memory_space<hbm>> -> memref<128x64xf32, #tpu.memory_space<hbm>>
    %dma_start3A_611 = arith.constant 0 : i32
    %dma_start3A_612 = arith.constant 0 : i32
    %dma_start3A_613 = tpu.memref_slice %arg6[%dma_start3A_602, %dma_start3A_611, %dma_start3A_612] : memref<8x128x64xf32, #tpu.memory_space<vmem>> -> memref<1x128x64xf32, #tpu.memory_space<vmem>>
    %dma_start3A_614 = tpu.memref_squeeze %dma_start3A_613 : memref<1x128x64xf32, #tpu.memory_space<vmem>> -> memref<128x64xf32, #tpu.memory_space<vmem>>
    tpu.enqueue_dma source(%dma_start3A_614 : memref<128x64xf32, #tpu.memory_space<vmem>>) target(%dma_start3A_610 : memref<128x64xf32, #tpu.memory_space<hbm>>) target_semaphore(%arg9 : memref<!tpu.dma_semaphore, #tpu.memory_space<semaphore_mem>>)
    %dma_wait3A_615 = arith.constant 6 : i32
    %dma_wait3A_616 = arith.constant 0 : i32
    %dma_wait3A_617 = arith.constant 0 : i32
    %dma_wait3A_618 = tpu.memref_slice %arg6[%dma_wait3A_615, %dma_wait3A_616, %dma_wait3A_617] : memref<8x128x64xf32, #tpu.memory_space<vmem>> -> memref<1x128x64xf32, #tpu.memory_space<vmem>>
    %dma_wait3A_619 = tpu.memref_squeeze %dma_wait3A_618 : memref<1x128x64xf32, #tpu.memory_space<vmem>> -> memref<128x64xf32, #tpu.memory_space<vmem>>
    %dma_wait3A_620 = arith.constant 1792 : i32
    %dma_wait3A_621 = tpu.memref_slice %arg5[%dma_wait3A_620] : memref<2048xi32, #tpu.memory_space<vmem>> -> memref<128xi32, #tpu.memory_space<vmem>>
    %dma_wait3A_622 = arith.constant 0 : i32
    %dma_wait3A_623 = arith.constant 0 : i32
    %dma_wait3A_624 = tpu.memref_slice %arg2[%dma_wait3A_622, %dma_wait3A_623] : memref<1024x64xf32, #tpu.memory_space<hbm>> -> memref<1024x64xf32, #tpu.memory_space<hbm>>
    tpu.wait_indirect_dma semaphore(%arg7 : memref<!tpu.dma_semaphore, #tpu.memory_space<semaphore_mem>>) src(%dma_wait3A_624 : memref<1024x64xf32, #tpu.memory_space<hbm>>) dst(%dma_wait3A_619 : memref<128x64xf32, #tpu.memory_space<vmem>>)
    %add3A_625 = arith.constant 1792 : i32
    %add3A_626 = arith.addi %mul3A_2, %add3A_625 : i32
    %dma_start3A_627 = arith.constant 6 : i32
    %dma_start3A_628 = arith.constant 0 : i32
    %dma_start3A_629 = arith.constant 0 : i32
    %dma_start3A_630 = tpu.memref_slice %arg6[%dma_start3A_627, %dma_start3A_628, %dma_start3A_629] : memref<8x128x64xf32, #tpu.memory_space<vmem>> -> memref<1x128x64xf32, #tpu.memory_space<vmem>>
    %dma_start3A_631 = tpu.memref_squeeze %dma_start3A_630 : memref<1x128x64xf32, #tpu.memory_space<vmem>> -> memref<128x64xf32, #tpu.memory_space<vmem>>
    %dma_start3A_632 = arith.constant 0 : i32
    %dma_start3A_633 = tpu.memref_slice %arg4[%add3A_626, %dma_start3A_632] : memref<65536x64xf32, #tpu.memory_space<hbm>> -> memref<128x64xf32, #tpu.memory_space<hbm>>
    %dma_start3A_634 = arith.constant 0 : i32
    %dma_start3A_635 = tpu.memref_slice %arg4[%add3A_626, %dma_start3A_634] : memref<65536x64xf32, #tpu.memory_space<hbm>> -> memref<128x64xf32, #tpu.memory_space<hbm>>
    %dma_start3A_636 = arith.constant 0 : i32
    %dma_start3A_637 = arith.constant 0 : i32
    %dma_start3A_638 = tpu.memref_slice %arg6[%dma_start3A_627, %dma_start3A_636, %dma_start3A_637] : memref<8x128x64xf32, #tpu.memory_space<vmem>> -> memref<1x128x64xf32, #tpu.memory_space<vmem>>
    %dma_start3A_639 = tpu.memref_squeeze %dma_start3A_638 : memref<1x128x64xf32, #tpu.memory_space<vmem>> -> memref<128x64xf32, #tpu.memory_space<vmem>>
    tpu.enqueue_dma source(%dma_start3A_639 : memref<128x64xf32, #tpu.memory_space<vmem>>) target(%dma_start3A_635 : memref<128x64xf32, #tpu.memory_space<hbm>>) target_semaphore(%arg9 : memref<!tpu.dma_semaphore, #tpu.memory_space<semaphore_mem>>)
    %dma_wait3A_640 = arith.constant 7 : i32
    %dma_wait3A_641 = arith.constant 0 : i32
    %dma_wait3A_642 = arith.constant 0 : i32
    %dma_wait3A_643 = tpu.memref_slice %arg6[%dma_wait3A_640, %dma_wait3A_641, %dma_wait3A_642] : memref<8x128x64xf32, #tpu.memory_space<vmem>> -> memref<1x128x64xf32, #tpu.memory_space<vmem>>
    %dma_wait3A_644 = tpu.memref_squeeze %dma_wait3A_643 : memref<1x128x64xf32, #tpu.memory_space<vmem>> -> memref<128x64xf32, #tpu.memory_space<vmem>>
    %dma_wait3A_645 = arith.constant 1920 : i32
    %dma_wait3A_646 = tpu.memref_slice %arg5[%dma_wait3A_645] : memref<2048xi32, #tpu.memory_space<vmem>> -> memref<128xi32, #tpu.memory_space<vmem>>
    %dma_wait3A_647 = arith.constant 0 : i32
    %dma_wait3A_648 = arith.constant 0 : i32
    %dma_wait3A_649 = tpu.memref_slice %arg2[%dma_wait3A_647, %dma_wait3A_648] : memref<1024x64xf32, #tpu.memory_space<hbm>> -> memref<1024x64xf32, #tpu.memory_space<hbm>>
    tpu.wait_indirect_dma semaphore(%arg8 : memref<!tpu.dma_semaphore, #tpu.memory_space<semaphore_mem>>) src(%dma_wait3A_649 : memref<1024x64xf32, #tpu.memory_space<hbm>>) dst(%dma_wait3A_644 : memref<128x64xf32, #tpu.memory_space<vmem>>)
    %add3A_650 = arith.constant 1920 : i32
    %add3A_651 = arith.addi %mul3A_2, %add3A_650 : i32
    %dma_start3A_652 = arith.constant 7 : i32
    %dma_start3A_653 = arith.constant 0 : i32
    %dma_start3A_654 = arith.constant 0 : i32
    %dma_start3A_655 = tpu.memref_slice %arg6[%dma_start3A_652, %dma_start3A_653, %dma_start3A_654] : memref<8x128x64xf32, #tpu.memory_space<vmem>> -> memref<1x128x64xf32, #tpu.memory_space<vmem>>
    %dma_start3A_656 = tpu.memref_squeeze %dma_start3A_655 : memref<1x128x64xf32, #tpu.memory_space<vmem>> -> memref<128x64xf32, #tpu.memory_space<vmem>>
    %dma_start3A_657 = arith.constant 0 : i32
    %dma_start3A_658 = tpu.memref_slice %arg4[%add3A_651, %dma_start3A_657] : memref<65536x64xf32, #tpu.memory_space<hbm>> -> memref<128x64xf32, #tpu.memory_space<hbm>>
    %dma_start3A_659 = arith.constant 0 : i32
    %dma_start3A_660 = tpu.memref_slice %arg4[%add3A_651, %dma_start3A_659] : memref<65536x64xf32, #tpu.memory_space<hbm>> -> memref<128x64xf32, #tpu.memory_space<hbm>>
    %dma_start3A_661 = arith.constant 0 : i32
    %dma_start3A_662 = arith.constant 0 : i32
    %dma_start3A_663 = tpu.memref_slice %arg6[%dma_start3A_652, %dma_start3A_661, %dma_start3A_662] : memref<8x128x64xf32, #tpu.memory_space<vmem>> -> memref<1x128x64xf32, #tpu.memory_space<vmem>>
    %dma_start3A_664 = tpu.memref_squeeze %dma_start3A_663 : memref<1x128x64xf32, #tpu.memory_space<vmem>> -> memref<128x64xf32, #tpu.memory_space<vmem>>
    tpu.enqueue_dma source(%dma_start3A_664 : memref<128x64xf32, #tpu.memory_space<vmem>>) target(%dma_start3A_660 : memref<128x64xf32, #tpu.memory_space<hbm>>) target_semaphore(%arg9 : memref<!tpu.dma_semaphore, #tpu.memory_space<semaphore_mem>>)
    %dma_wait3A_665 = arith.constant 0 : i32
    %dma_wait3A_666 = arith.constant 0 : i32
    %dma_wait3A_667 = arith.constant 0 : i32
    %dma_wait3A_668 = tpu.memref_slice %arg6[%dma_wait3A_665, %dma_wait3A_666, %dma_wait3A_667] : memref<8x128x64xf32, #tpu.memory_space<vmem>> -> memref<1x128x64xf32, #tpu.memory_space<vmem>>
    %dma_wait3A_669 = tpu.memref_squeeze %dma_wait3A_668 : memref<1x128x64xf32, #tpu.memory_space<vmem>> -> memref<128x64xf32, #tpu.memory_space<vmem>>
    %dma_wait3A_670 = arith.constant 0 : i32
    %dma_wait3A_671 = tpu.memref_slice %arg4[%add3A_453, %dma_wait3A_670] : memref<65536x64xf32, #tpu.memory_space<hbm>> -> memref<128x64xf32, #tpu.memory_space<hbm>>
    %dma_wait3A_672 = arith.constant 0 : i32
    %dma_wait3A_673 = tpu.memref_slice %arg4[%add3A_453, %dma_wait3A_672] : memref<65536x64xf32, #tpu.memory_space<hbm>> -> memref<128x64xf32, #tpu.memory_space<hbm>>
    %dma_wait3A_674 = arith.constant 0 : i32
    %dma_wait3A_675 = arith.constant 0 : i32
    %dma_wait3A_676 = tpu.memref_slice %arg6[%dma_wait3A_665, %dma_wait3A_674, %dma_wait3A_675] : memref<8x128x64xf32, #tpu.memory_space<vmem>> -> memref<1x128x64xf32, #tpu.memory_space<vmem>>
    %dma_wait3A_677 = tpu.memref_squeeze %dma_wait3A_676 : memref<1x128x64xf32, #tpu.memory_space<vmem>> -> memref<128x64xf32, #tpu.memory_space<vmem>>
    tpu.wait_dma2 semaphore(%arg9 : memref<!tpu.dma_semaphore, #tpu.memory_space<semaphore_mem>>) src(%dma_wait3A_677 : memref<128x64xf32, #tpu.memory_space<vmem>>) dst(%dma_wait3A_673 : memref<128x64xf32, #tpu.memory_space<hbm>>)
    %dma_wait3A_678 = arith.constant 1 : i32
    %dma_wait3A_679 = arith.constant 0 : i32
    %dma_wait3A_680 = arith.constant 0 : i32
    %dma_wait3A_681 = tpu.memref_slice %arg6[%dma_wait3A_678, %dma_wait3A_679, %dma_wait3A_680] : memref<8x128x64xf32, #tpu.memory_space<vmem>> -> memref<1x128x64xf32, #tpu.memory_space<vmem>>
    %dma_wait3A_682 = tpu.memref_squeeze %dma_wait3A_681 : memref<1x128x64xf32, #tpu.memory_space<vmem>> -> memref<128x64xf32, #tpu.memory_space<vmem>>
    %dma_wait3A_683 = arith.constant 0 : i32
    %dma_wait3A_684 = tpu.memref_slice %arg4[%add3A_501, %dma_wait3A_683] : memref<65536x64xf32, #tpu.memory_space<hbm>> -> memref<128x64xf32, #tpu.memory_space<hbm>>
    %dma_wait3A_685 = arith.constant 0 : i32
    %dma_wait3A_686 = tpu.memref_slice %arg4[%add3A_501, %dma_wait3A_685] : memref<65536x64xf32, #tpu.memory_space<hbm>> -> memref<128x64xf32, #tpu.memory_space<hbm>>
    %dma_wait3A_687 = arith.constant 0 : i32
    %dma_wait3A_688 = arith.constant 0 : i32
    %dma_wait3A_689 = tpu.memref_slice %arg6[%dma_wait3A_678, %dma_wait3A_687, %dma_wait3A_688] : memref<8x128x64xf32, #tpu.memory_space<vmem>> -> memref<1x128x64xf32, #tpu.memory_space<vmem>>
    %dma_wait3A_690 = tpu.memref_squeeze %dma_wait3A_689 : memref<1x128x64xf32, #tpu.memory_space<vmem>> -> memref<128x64xf32, #tpu.memory_space<vmem>>
    tpu.wait_dma2 semaphore(%arg9 : memref<!tpu.dma_semaphore, #tpu.memory_space<semaphore_mem>>) src(%dma_wait3A_690 : memref<128x64xf32, #tpu.memory_space<vmem>>) dst(%dma_wait3A_686 : memref<128x64xf32, #tpu.memory_space<hbm>>)
    %dma_wait3A_691 = arith.constant 2 : i32
    %dma_wait3A_692 = arith.constant 0 : i32
    %dma_wait3A_693 = arith.constant 0 : i32
    %dma_wait3A_694 = tpu.memref_slice %arg6[%dma_wait3A_691, %dma_wait3A_692, %dma_wait3A_693] : memref<8x128x64xf32, #tpu.memory_space<vmem>> -> memref<1x128x64xf32, #tpu.memory_space<vmem>>
    %dma_wait3A_695 = tpu.memref_squeeze %dma_wait3A_694 : memref<1x128x64xf32, #tpu.memory_space<vmem>> -> memref<128x64xf32, #tpu.memory_space<vmem>>
    %dma_wait3A_696 = arith.constant 0 : i32
    %dma_wait3A_697 = tpu.memref_slice %arg4[%add3A_526, %dma_wait3A_696] : memref<65536x64xf32, #tpu.memory_space<hbm>> -> memref<128x64xf32, #tpu.memory_space<hbm>>
    %dma_wait3A_698 = arith.constant 0 : i32
    %dma_wait3A_699 = tpu.memref_slice %arg4[%add3A_526, %dma_wait3A_698] : memref<65536x64xf32, #tpu.memory_space<hbm>> -> memref<128x64xf32, #tpu.memory_space<hbm>>
    %dma_wait3A_700 = arith.constant 0 : i32
    %dma_wait3A_701 = arith.constant 0 : i32
    %dma_wait3A_702 = tpu.memref_slice %arg6[%dma_wait3A_691, %dma_wait3A_700, %dma_wait3A_701] : memref<8x128x64xf32, #tpu.memory_space<vmem>> -> memref<1x128x64xf32, #tpu.memory_space<vmem>>
    %dma_wait3A_703 = tpu.memref_squeeze %dma_wait3A_702 : memref<1x128x64xf32, #tpu.memory_space<vmem>> -> memref<128x64xf32, #tpu.memory_space<vmem>>
    tpu.wait_dma2 semaphore(%arg9 : memref<!tpu.dma_semaphore, #tpu.memory_space<semaphore_mem>>) src(%dma_wait3A_703 : memref<128x64xf32, #tpu.memory_space<vmem>>) dst(%dma_wait3A_699 : memref<128x64xf32, #tpu.memory_space<hbm>>)
    %dma_wait3A_704 = arith.constant 3 : i32
    %dma_wait3A_705 = arith.constant 0 : i32
    %dma_wait3A_706 = arith.constant 0 : i32
    %dma_wait3A_707 = tpu.memref_slice %arg6[%dma_wait3A_704, %dma_wait3A_705, %dma_wait3A_706] : memref<8x128x64xf32, #tpu.memory_space<vmem>> -> memref<1x128x64xf32, #tpu.memory_space<vmem>>
    %dma_wait3A_708 = tpu.memref_squeeze %dma_wait3A_707 : memref<1x128x64xf32, #tpu.memory_space<vmem>> -> memref<128x64xf32, #tpu.memory_space<vmem>>
    %dma_wait3A_709 = arith.constant 0 : i32
    %dma_wait3A_710 = tpu.memref_slice %arg4[%add3A_551, %dma_wait3A_709] : memref<65536x64xf32, #tpu.memory_space<hbm>> -> memref<128x64xf32, #tpu.memory_space<hbm>>
    %dma_wait3A_711 = arith.constant 0 : i32
    %dma_wait3A_712 = tpu.memref_slice %arg4[%add3A_551, %dma_wait3A_711] : memref<65536x64xf32, #tpu.memory_space<hbm>> -> memref<128x64xf32, #tpu.memory_space<hbm>>
    %dma_wait3A_713 = arith.constant 0 : i32
    %dma_wait3A_714 = arith.constant 0 : i32
    %dma_wait3A_715 = tpu.memref_slice %arg6[%dma_wait3A_704, %dma_wait3A_713, %dma_wait3A_714] : memref<8x128x64xf32, #tpu.memory_space<vmem>> -> memref<1x128x64xf32, #tpu.memory_space<vmem>>
    %dma_wait3A_716 = tpu.memref_squeeze %dma_wait3A_715 : memref<1x128x64xf32, #tpu.memory_space<vmem>> -> memref<128x64xf32, #tpu.memory_space<vmem>>
    tpu.wait_dma2 semaphore(%arg9 : memref<!tpu.dma_semaphore, #tpu.memory_space<semaphore_mem>>) src(%dma_wait3A_716 : memref<128x64xf32, #tpu.memory_space<vmem>>) dst(%dma_wait3A_712 : memref<128x64xf32, #tpu.memory_space<hbm>>)
    %dma_wait3A_717 = arith.constant 4 : i32
    %dma_wait3A_718 = arith.constant 0 : i32
    %dma_wait3A_719 = arith.constant 0 : i32
    %dma_wait3A_720 = tpu.memref_slice %arg6[%dma_wait3A_717, %dma_wait3A_718, %dma_wait3A_719] : memref<8x128x64xf32, #tpu.memory_space<vmem>> -> memref<1x128x64xf32, #tpu.memory_space<vmem>>
    %dma_wait3A_721 = tpu.memref_squeeze %dma_wait3A_720 : memref<1x128x64xf32, #tpu.memory_space<vmem>> -> memref<128x64xf32, #tpu.memory_space<vmem>>
    %dma_wait3A_722 = arith.constant 0 : i32
    %dma_wait3A_723 = tpu.memref_slice %arg4[%add3A_576, %dma_wait3A_722] : memref<65536x64xf32, #tpu.memory_space<hbm>> -> memref<128x64xf32, #tpu.memory_space<hbm>>
    %dma_wait3A_724 = arith.constant 0 : i32
    %dma_wait3A_725 = tpu.memref_slice %arg4[%add3A_576, %dma_wait3A_724] : memref<65536x64xf32, #tpu.memory_space<hbm>> -> memref<128x64xf32, #tpu.memory_space<hbm>>
    %dma_wait3A_726 = arith.constant 0 : i32
    %dma_wait3A_727 = arith.constant 0 : i32
    %dma_wait3A_728 = tpu.memref_slice %arg6[%dma_wait3A_717, %dma_wait3A_726, %dma_wait3A_727] : memref<8x128x64xf32, #tpu.memory_space<vmem>> -> memref<1x128x64xf32, #tpu.memory_space<vmem>>
    %dma_wait3A_729 = tpu.memref_squeeze %dma_wait3A_728 : memref<1x128x64xf32, #tpu.memory_space<vmem>> -> memref<128x64xf32, #tpu.memory_space<vmem>>
    tpu.wait_dma2 semaphore(%arg9 : memref<!tpu.dma_semaphore, #tpu.memory_space<semaphore_mem>>) src(%dma_wait3A_729 : memref<128x64xf32, #tpu.memory_space<vmem>>) dst(%dma_wait3A_725 : memref<128x64xf32, #tpu.memory_space<hbm>>)
    %dma_wait3A_730 = arith.constant 5 : i32
    %dma_wait3A_731 = arith.constant 0 : i32
    %dma_wait3A_732 = arith.constant 0 : i32
    %dma_wait3A_733 = tpu.memref_slice %arg6[%dma_wait3A_730, %dma_wait3A_731, %dma_wait3A_732] : memref<8x128x64xf32, #tpu.memory_space<vmem>> -> memref<1x128x64xf32, #tpu.memory_space<vmem>>
    %dma_wait3A_734 = tpu.memref_squeeze %dma_wait3A_733 : memref<1x128x64xf32, #tpu.memory_space<vmem>> -> memref<128x64xf32, #tpu.memory_space<vmem>>
    %dma_wait3A_735 = arith.constant 0 : i32
    %dma_wait3A_736 = tpu.memref_slice %arg4[%add3A_601, %dma_wait3A_735] : memref<65536x64xf32, #tpu.memory_space<hbm>> -> memref<128x64xf32, #tpu.memory_space<hbm>>
    %dma_wait3A_737 = arith.constant 0 : i32
    %dma_wait3A_738 = tpu.memref_slice %arg4[%add3A_601, %dma_wait3A_737] : memref<65536x64xf32, #tpu.memory_space<hbm>> -> memref<128x64xf32, #tpu.memory_space<hbm>>
    %dma_wait3A_739 = arith.constant 0 : i32
    %dma_wait3A_740 = arith.constant 0 : i32
    %dma_wait3A_741 = tpu.memref_slice %arg6[%dma_wait3A_730, %dma_wait3A_739, %dma_wait3A_740] : memref<8x128x64xf32, #tpu.memory_space<vmem>> -> memref<1x128x64xf32, #tpu.memory_space<vmem>>
    %dma_wait3A_742 = tpu.memref_squeeze %dma_wait3A_741 : memref<1x128x64xf32, #tpu.memory_space<vmem>> -> memref<128x64xf32, #tpu.memory_space<vmem>>
    tpu.wait_dma2 semaphore(%arg9 : memref<!tpu.dma_semaphore, #tpu.memory_space<semaphore_mem>>) src(%dma_wait3A_742 : memref<128x64xf32, #tpu.memory_space<vmem>>) dst(%dma_wait3A_738 : memref<128x64xf32, #tpu.memory_space<hbm>>)
    %dma_wait3A_743 = arith.constant 6 : i32
    %dma_wait3A_744 = arith.constant 0 : i32
    %dma_wait3A_745 = arith.constant 0 : i32
    %dma_wait3A_746 = tpu.memref_slice %arg6[%dma_wait3A_743, %dma_wait3A_744, %dma_wait3A_745] : memref<8x128x64xf32, #tpu.memory_space<vmem>> -> memref<1x128x64xf32, #tpu.memory_space<vmem>>
    %dma_wait3A_747 = tpu.memref_squeeze %dma_wait3A_746 : memref<1x128x64xf32, #tpu.memory_space<vmem>> -> memref<128x64xf32, #tpu.memory_space<vmem>>
    %dma_wait3A_748 = arith.constant 0 : i32
    %dma_wait3A_749 = tpu.memref_slice %arg4[%add3A_626, %dma_wait3A_748] : memref<65536x64xf32, #tpu.memory_space<hbm>> -> memref<128x64xf32, #tpu.memory_space<hbm>>
    %dma_wait3A_750 = arith.constant 0 : i32
    %dma_wait3A_751 = tpu.memref_slice %arg4[%add3A_626, %dma_wait3A_750] : memref<65536x64xf32, #tpu.memory_space<hbm>> -> memref<128x64xf32, #tpu.memory_space<hbm>>
    %dma_wait3A_752 = arith.constant 0 : i32
    %dma_wait3A_753 = arith.constant 0 : i32
    %dma_wait3A_754 = tpu.memref_slice %arg6[%dma_wait3A_743, %dma_wait3A_752, %dma_wait3A_753] : memref<8x128x64xf32, #tpu.memory_space<vmem>> -> memref<1x128x64xf32, #tpu.memory_space<vmem>>
    %dma_wait3A_755 = tpu.memref_squeeze %dma_wait3A_754 : memref<1x128x64xf32, #tpu.memory_space<vmem>> -> memref<128x64xf32, #tpu.memory_space<vmem>>
    tpu.wait_dma2 semaphore(%arg9 : memref<!tpu.dma_semaphore, #tpu.memory_space<semaphore_mem>>) src(%dma_wait3A_755 : memref<128x64xf32, #tpu.memory_space<vmem>>) dst(%dma_wait3A_751 : memref<128x64xf32, #tpu.memory_space<hbm>>)
    %dma_wait3A_756 = arith.constant 7 : i32
    %dma_wait3A_757 = arith.constant 0 : i32
    %dma_wait3A_758 = arith.constant 0 : i32
    %dma_wait3A_759 = tpu.memref_slice %arg6[%dma_wait3A_756, %dma_wait3A_757, %dma_wait3A_758] : memref<8x128x64xf32, #tpu.memory_space<vmem>> -> memref<1x128x64xf32, #tpu.memory_space<vmem>>
    %dma_wait3A_760 = tpu.memref_squeeze %dma_wait3A_759 : memref<1x128x64xf32, #tpu.memory_space<vmem>> -> memref<128x64xf32, #tpu.memory_space<vmem>>
    %dma_wait3A_761 = arith.constant 0 : i32
    %dma_wait3A_762 = tpu.memref_slice %arg4[%add3A_651, %dma_wait3A_761] : memref<65536x64xf32, #tpu.memory_space<hbm>> -> memref<128x64xf32, #tpu.memory_space<hbm>>
    %dma_wait3A_763 = arith.constant 0 : i32
    %dma_wait3A_764 = tpu.memref_slice %arg4[%add3A_651, %dma_wait3A_763] : memref<65536x64xf32, #tpu.memory_space<hbm>> -> memref<128x64xf32, #tpu.memory_space<hbm>>
    %dma_wait3A_765 = arith.constant 0 : i32
    %dma_wait3A_766 = arith.constant 0 : i32
    %dma_wait3A_767 = tpu.memref_slice %arg6[%dma_wait3A_756, %dma_wait3A_765, %dma_wait3A_766] : memref<8x128x64xf32, #tpu.memory_space<vmem>> -> memref<1x128x64xf32, #tpu.memory_space<vmem>>
    %dma_wait3A_768 = tpu.memref_squeeze %dma_wait3A_767 : memref<1x128x64xf32, #tpu.memory_space<vmem>> -> memref<128x64xf32, #tpu.memory_space<vmem>>
    tpu.wait_dma2 semaphore(%arg9 : memref<!tpu.dma_semaphore, #tpu.memory_space<semaphore_mem>>) src(%dma_wait3A_768 : memref<128x64xf32, #tpu.memory_space<vmem>>) dst(%dma_wait3A_764 : memref<128x64xf32, #tpu.memory_space<hbm>>)
    return
  }
}

module attributes {stable_mosaic.version = 14 : i64} {
  func.func @_argmin_body(%arg0: i32, %arg1: memref<1024x256xf32, #tpu.memory_space<vmem>>, %arg2: memref<1024x1xf32, #tpu.memory_space<vmem>>, %arg3: memref<64x1024xf32, #tpu.memory_space<vmem>>, %arg4: memref<1024x4xi32, #tpu.memory_space<vmem>>) attributes {dimension_semantics = [#tpu.dimension_semantics<arbitrary>], iteration_bounds = array<i64: 16>, scalar_prefetch = 0 : i64, scratch_operands = 0 : i64, tpu.core_type = #tpu.core_type<tc>, window_params = [{transform_indices = @transform_0, window_bounds = array<i64: 1024, 256>}, {transform_indices = @transform_1, window_bounds = array<i64: 1024, 1>}, {pipeline_mode = #tpu.pipeline_mode<synchronous>, transform_indices = @transform_2, window_bounds = array<i64: 64, 1024>}, {transform_indices = @transform_3, window_bounds = array<i64: 1024, 4>}]} {
    %get3A = arith.constant 0 : index
    %get3A_0 = arith.constant 0 : index
    %get3A_1 = vector.load %arg1[%get3A, %get3A_0] : memref<1024x256xf32, #tpu.memory_space<vmem>>, vector<1024x256xf32>
    %get3A_2 = arith.constant 0 : index
    %get3A_3 = arith.constant 0 : index
    %get3A_4 = vector.load %arg2[%get3A_2, %get3A_3] : memref<1024x1xf32, #tpu.memory_space<vmem>>, vector<1024x1xf32>
    %div3A = vector.broadcast %get3A_4 : vector<1024x1xf32> to vector<1024x256xf32>
    %div3A_5 = arith.divf %get3A_1, %div3A : vector<1024x256xf32>
    %get3A_6 = arith.constant 0 : index
    %get3A_7 = arith.constant 0 : index
    %get3A_8 = vector.load %arg3[%get3A_6, %get3A_7] : memref<64x1024xf32, #tpu.memory_space<vmem>>, vector<64x1024xf32>
    %mul3A = arith.mulf %get3A_8, %get3A_8 : vector<64x1024xf32>
    %reduce_sum3A = arith.constant dense<0.000000e+00> : vector<1024xf32>
    %reduce_sum3A_9 = vector.multi_reduction <add>, %mul3A, %reduce_sum3A [0] : vector<64x1024xf32> to vector<1024xf32>
    %broadcast_in_dim3A = vector.shape_cast %reduce_sum3A_9 : vector<1024xf32> to vector<1x1024xf32>
    %mul3A_10 = arith.constant 5.000000e-01 : f32
    %mul3A_11 = vector.broadcast %mul3A_10 : f32 to vector<1x1024xf32>
    %mul3A_12 = arith.mulf %mul3A_11, %broadcast_in_dim3A : vector<1x1024xf32>
    %convert_element_type3A = arith.truncf %mul3A_12 : vector<1x1024xf32> to vector<1x1024xbf16>
    %convert_element_type3A_13 = arith.extf %convert_element_type3A : vector<1x1024xbf16> to vector<1x1024xf32>
    %sub3A = arith.subf %mul3A_12, %convert_element_type3A_13 : vector<1x1024xf32>
    %convert_element_type3A_14 = arith.truncf %sub3A : vector<1x1024xf32> to vector<1x1024xbf16>
    %convert_element_type3A_15 = arith.extf %convert_element_type3A_14 : vector<1x1024xbf16> to vector<1x1024xf32>
    %sub3A_16 = arith.subf %mul3A_12, %convert_element_type3A_13 : vector<1x1024xf32>
    %sub3A_17 = arith.subf %sub3A_16, %convert_element_type3A_15 : vector<1x1024xf32>
    %concatenate3A = tpu.concatenate %get3A_8, %convert_element_type3A_13, %convert_element_type3A_15, %sub3A_17 in 0 : vector<64x1024xf32>, vector<1x1024xf32>, vector<1x1024xf32>, vector<1x1024xf32> -> vector<67x1024xf32>
    %broadcast_in_dim3A_18 = arith.constant -1.000000e+00 : f32
    %broadcast_in_dim3A_19 = vector.broadcast %broadcast_in_dim3A_18 : f32 to vector<1024x3xf32>
    %iota3A = tpu.iota {dimensions = array<i32: 1>} : vector<1024x1024xi32>
    %convert_element_type3A_20 = arith.sitofp %iota3A : vector<1024x1024xi32> to vector<1024x1024xf32>
    %slice3A = vector.extract_strided_slice %div3A_5 {offsets = [0, 0], sizes = [1024, 64], strides = [1, 1]} : vector<1024x256xf32> to vector<1024x64xf32>
    %concatenate3A_21 = tpu.concatenate %slice3A, %broadcast_in_dim3A_19 in 1 : vector<1024x64xf32>, vector<1024x3xf32> -> vector<1024x67xf32>
    %dot_general3A = arith.constant dense<0.000000e+00> : vector<1024x1024xf32>
    %dot_general3A_22 = tpu.matmul %concatenate3A_21, %concatenate3A, %dot_general3A {dimension_numbers = #tpu.dot_dimension_numbers<[1], [0], [0], [1], [0, 0, 1, 1], [], []>, transpose_lhs_hint = false} : vector<1024x67xf32>, vector<67x1024xf32>, vector<1024x1024xf32> -> vector<1024x1024xf32>
    %reduce_max3A = arith.constant dense<0xFF800000> : vector<1024xf32>
    %reduce_max3A_23 = vector.multi_reduction <maximumf>, %dot_general3A_22, %reduce_max3A [1] : vector<1024x1024xf32> to vector<1024xf32>
    %broadcast_in_dim3A_24 = vector.shape_cast %reduce_max3A_23 : vector<1024xf32> to vector<1024x1xf32>
    %eq3A = vector.broadcast %broadcast_in_dim3A_24 : vector<1024x1xf32> to vector<1024x1024xf32>
    %eq3A_25 = arith.cmpf oeq, %dot_general3A_22, %eq3A : vector<1024x1024xf32>
    %jit3A = arith.constant 1.024000e+03 : f32
    %broadcast_in_dim3A_26 = vector.broadcast %jit3A : f32 to vector<1024x1024xf32>
    %select_n3A = arith.select %eq3A_25, %convert_element_type3A_20, %broadcast_in_dim3A_26 : vector<1024x1024xi1>, vector<1024x1024xf32>
    %reduce_min3A = arith.constant dense<0x7F800000> : vector<1024xf32>
    %reduce_min3A_27 = vector.multi_reduction <minimumf>, %select_n3A, %reduce_min3A [1] : vector<1024x1024xf32> to vector<1024xf32>
    %convert_element_type3A_28 = arith.fptosi %reduce_min3A_27 : vector<1024xf32> to vector<1024xi32>
    %slice3A_29 = vector.extract_strided_slice %div3A_5 {offsets = [0, 64], sizes = [1024, 64], strides = [1, 1]} : vector<1024x256xf32> to vector<1024x64xf32>
    %concatenate3A_30 = tpu.concatenate %slice3A_29, %broadcast_in_dim3A_19 in 1 : vector<1024x64xf32>, vector<1024x3xf32> -> vector<1024x67xf32>
    %dot_general3A_31 = arith.constant dense<0.000000e+00> : vector<1024x1024xf32>
    %dot_general3A_32 = tpu.matmul %concatenate3A_30, %concatenate3A, %dot_general3A_31 {dimension_numbers = #tpu.dot_dimension_numbers<[1], [0], [0], [1], [0, 0, 1, 1], [], []>, transpose_lhs_hint = false} : vector<1024x67xf32>, vector<67x1024xf32>, vector<1024x1024xf32> -> vector<1024x1024xf32>
    %reduce_max3A_33 = arith.constant dense<0xFF800000> : vector<1024xf32>
    %reduce_max3A_34 = vector.multi_reduction <maximumf>, %dot_general3A_32, %reduce_max3A_33 [1] : vector<1024x1024xf32> to vector<1024xf32>
    %broadcast_in_dim3A_35 = vector.shape_cast %reduce_max3A_34 : vector<1024xf32> to vector<1024x1xf32>
    %eq3A_36 = vector.broadcast %broadcast_in_dim3A_35 : vector<1024x1xf32> to vector<1024x1024xf32>
    %eq3A_37 = arith.cmpf oeq, %dot_general3A_32, %eq3A_36 : vector<1024x1024xf32>
    %jit3A_38 = arith.constant 1.024000e+03 : f32
    %broadcast_in_dim3A_39 = vector.broadcast %jit3A_38 : f32 to vector<1024x1024xf32>
    %select_n3A_40 = arith.select %eq3A_37, %convert_element_type3A_20, %broadcast_in_dim3A_39 : vector<1024x1024xi1>, vector<1024x1024xf32>
    %reduce_min3A_41 = arith.constant dense<0x7F800000> : vector<1024xf32>
    %reduce_min3A_42 = vector.multi_reduction <minimumf>, %select_n3A_40, %reduce_min3A_41 [1] : vector<1024x1024xf32> to vector<1024xf32>
    %convert_element_type3A_43 = arith.fptosi %reduce_min3A_42 : vector<1024xf32> to vector<1024xi32>
    %slice3A_44 = vector.extract_strided_slice %div3A_5 {offsets = [0, 128], sizes = [1024, 64], strides = [1, 1]} : vector<1024x256xf32> to vector<1024x64xf32>
    %concatenate3A_45 = tpu.concatenate %slice3A_44, %broadcast_in_dim3A_19 in 1 : vector<1024x64xf32>, vector<1024x3xf32> -> vector<1024x67xf32>
    %dot_general3A_46 = arith.constant dense<0.000000e+00> : vector<1024x1024xf32>
    %dot_general3A_47 = tpu.matmul %concatenate3A_45, %concatenate3A, %dot_general3A_46 {dimension_numbers = #tpu.dot_dimension_numbers<[1], [0], [0], [1], [0, 0, 1, 1], [], []>, transpose_lhs_hint = false} : vector<1024x67xf32>, vector<67x1024xf32>, vector<1024x1024xf32> -> vector<1024x1024xf32>
    %reduce_max3A_48 = arith.constant dense<0xFF800000> : vector<1024xf32>
    %reduce_max3A_49 = vector.multi_reduction <maximumf>, %dot_general3A_47, %reduce_max3A_48 [1] : vector<1024x1024xf32> to vector<1024xf32>
    %broadcast_in_dim3A_50 = vector.shape_cast %reduce_max3A_49 : vector<1024xf32> to vector<1024x1xf32>
    %eq3A_51 = vector.broadcast %broadcast_in_dim3A_50 : vector<1024x1xf32> to vector<1024x1024xf32>
    %eq3A_52 = arith.cmpf oeq, %dot_general3A_47, %eq3A_51 : vector<1024x1024xf32>
    %jit3A_53 = arith.constant 1.024000e+03 : f32
    %broadcast_in_dim3A_54 = vector.broadcast %jit3A_53 : f32 to vector<1024x1024xf32>
    %select_n3A_55 = arith.select %eq3A_52, %convert_element_type3A_20, %broadcast_in_dim3A_54 : vector<1024x1024xi1>, vector<1024x1024xf32>
    %reduce_min3A_56 = arith.constant dense<0x7F800000> : vector<1024xf32>
    %reduce_min3A_57 = vector.multi_reduction <minimumf>, %select_n3A_55, %reduce_min3A_56 [1] : vector<1024x1024xf32> to vector<1024xf32>
    %convert_element_type3A_58 = arith.fptosi %reduce_min3A_57 : vector<1024xf32> to vector<1024xi32>
    %slice3A_59 = vector.extract_strided_slice %div3A_5 {offsets = [0, 192], sizes = [1024, 64], strides = [1, 1]} : vector<1024x256xf32> to vector<1024x64xf32>
    %concatenate3A_60 = tpu.concatenate %slice3A_59, %broadcast_in_dim3A_19 in 1 : vector<1024x64xf32>, vector<1024x3xf32> -> vector<1024x67xf32>
    %dot_general3A_61 = arith.constant dense<0.000000e+00> : vector<1024x1024xf32>
    %dot_general3A_62 = tpu.matmul %concatenate3A_60, %concatenate3A, %dot_general3A_61 {dimension_numbers = #tpu.dot_dimension_numbers<[1], [0], [0], [1], [0, 0, 1, 1], [], []>, transpose_lhs_hint = false} : vector<1024x67xf32>, vector<67x1024xf32>, vector<1024x1024xf32> -> vector<1024x1024xf32>
    %reduce_max3A_63 = arith.constant dense<0xFF800000> : vector<1024xf32>
    %reduce_max3A_64 = vector.multi_reduction <maximumf>, %dot_general3A_62, %reduce_max3A_63 [1] : vector<1024x1024xf32> to vector<1024xf32>
    %broadcast_in_dim3A_65 = vector.shape_cast %reduce_max3A_64 : vector<1024xf32> to vector<1024x1xf32>
    %eq3A_66 = vector.broadcast %broadcast_in_dim3A_65 : vector<1024x1xf32> to vector<1024x1024xf32>
    %eq3A_67 = arith.cmpf oeq, %dot_general3A_62, %eq3A_66 : vector<1024x1024xf32>
    %jit3A_68 = arith.constant 1.024000e+03 : f32
    %broadcast_in_dim3A_69 = vector.broadcast %jit3A_68 : f32 to vector<1024x1024xf32>
    %select_n3A_70 = arith.select %eq3A_67, %convert_element_type3A_20, %broadcast_in_dim3A_69 : vector<1024x1024xi1>, vector<1024x1024xf32>
    %reduce_min3A_71 = arith.constant dense<0x7F800000> : vector<1024xf32>
    %reduce_min3A_72 = vector.multi_reduction <minimumf>, %select_n3A_70, %reduce_min3A_71 [1] : vector<1024x1024xf32> to vector<1024xf32>
    %convert_element_type3A_73 = arith.fptosi %reduce_min3A_72 : vector<1024xf32> to vector<1024xi32>
    %stack3A = vector.shape_cast %convert_element_type3A_28 : vector<1024xi32> to vector<1024x1xi32>
    %stack3A_74 = vector.shape_cast %convert_element_type3A_43 : vector<1024xi32> to vector<1024x1xi32>
    %stack3A_75 = vector.shape_cast %convert_element_type3A_58 : vector<1024xi32> to vector<1024x1xi32>
    %stack3A_76 = vector.shape_cast %convert_element_type3A_73 : vector<1024xi32> to vector<1024x1xi32>
    %stack3A_77 = tpu.concatenate %stack3A, %stack3A_74, %stack3A_75, %stack3A_76 in 1 : vector<1024x1xi32>, vector<1024x1xi32>, vector<1024x1xi32>, vector<1024x1xi32> -> vector<1024x4xi32>
    %swap3A = arith.constant 0 : index
    %swap3A_78 = arith.constant 0 : index
    %swap3A_79 = vector.load %arg4[%swap3A, %swap3A_78] : memref<1024x4xi32, #tpu.memory_space<vmem>>, vector<1024x4xi32>
    tpu.vector_store %arg4[%swap3A, %swap3A_78], %stack3A_77 {strides = array<i32>} : memref<1024x4xi32, #tpu.memory_space<vmem>>, vector<1024x4xi32>,
    return
  }
  func.func @transform_0(%arg0: i32) -> (i32, i32) {
    %add3A = arith.constant 0 : i32
    %add3A_0 = arith.addi %arg0, %add3A : i32
    %c0_i32 = arith.constant 0 : i32
    %c0_i32_1 = arith.constant 0 : i32
    return %add3A_0, %c0_i32 : i32, i32
  }
  func.func @transform_1(%arg0: i32) -> (i32, i32) {
    %add3A = arith.constant 0 : i32
    %add3A_0 = arith.addi %arg0, %add3A : i32
    %c0_i32 = arith.constant 0 : i32
    %c0_i32_1 = arith.constant 0 : i32
    return %add3A_0, %c0_i32 : i32, i32
  }
  func.func @transform_2(%arg0: i32) -> (i32, i32) {
    %c0_i32 = arith.constant 0 : i32
    %c0_i32_0 = arith.constant 0 : i32
    %c0_i32_1 = arith.constant 0 : i32
    return %c0_i32, %c0_i32_0 : i32, i32
  }
  func.func @transform_3(%arg0: i32) -> (i32, i32) {
    %c0_i32 = arith.constant 0 : i32
    %c0_i32_0 = arith.constant 0 : i32
    return %arg0, %c0_i32 : i32, i32
  }
}

module attributes {stable_mosaic.version = 14 : i64} {
  func.func @_argmin_gather_body(%arg0: i32, %arg1: memref<256x1024xf32, #tpu.memory_space<vmem>>, %arg2: memref<256x1xf32, #tpu.memory_space<vmem>>, %arg3: memref<64x1024xf32, #tpu.memory_space<vmem>>, %arg4: memref<256x1024xf32, #tpu.memory_space<vmem>>) attributes {dimension_semantics = [#tpu.dimension_semantics<arbitrary>], iteration_bounds = array<i64: 1>, scalar_prefetch = 0 : i64, scratch_operands = 0 : i64, tpu.core_type = #tpu.core_type<tc>, window_params = [{transform_indices = @transform_0, window_bounds = array<i64: 256, 1024>}, {transform_indices = @transform_1, window_bounds = array<i64: 256, 1>}, {pipeline_mode = #tpu.pipeline_mode<synchronous>, transform_indices = @transform_2, window_bounds = array<i64: 64, 1024>}, {transform_indices = @transform_3, window_bounds = array<i64: 256, 1024>}]} {
    %get3A = arith.constant 0 : index
    %get3A_0 = arith.constant 0 : index
    %get3A_1 = vector.load %arg1[%get3A, %get3A_0] : memref<256x1024xf32, #tpu.memory_space<vmem>>, vector<256x1024xf32>
    %get3A_2 = arith.constant 0 : index
    %get3A_3 = arith.constant 0 : index
    %get3A_4 = vector.load %arg2[%get3A_2, %get3A_3] : memref<256x1xf32, #tpu.memory_space<vmem>>, vector<256x1xf32>
    %div3A = vector.broadcast %get3A_4 : vector<256x1xf32> to vector<256x1024xf32>
    %div3A_5 = arith.divf %get3A_1, %div3A : vector<256x1024xf32>
    %get3A_6 = arith.constant 0 : index
    %get3A_7 = arith.constant 0 : index
    %get3A_8 = vector.load %arg3[%get3A_6, %get3A_7] : memref<64x1024xf32, #tpu.memory_space<vmem>>, vector<64x1024xf32>
    %mul3A = arith.mulf %get3A_8, %get3A_8 : vector<64x1024xf32>
    %reduce_sum3A = arith.constant dense<0.000000e+00> : vector<1024xf32>
    %reduce_sum3A_9 = vector.multi_reduction <add>, %mul3A, %reduce_sum3A [0] : vector<64x1024xf32> to vector<1024xf32>
    %broadcast_in_dim3A = vector.shape_cast %reduce_sum3A_9 : vector<1024xf32> to vector<1x1024xf32>
    %mul3A_10 = arith.constant 5.000000e-01 : f32
    %mul3A_11 = vector.broadcast %mul3A_10 : f32 to vector<1x1024xf32>
    %mul3A_12 = arith.mulf %mul3A_11, %broadcast_in_dim3A : vector<1x1024xf32>
    %iota3A = tpu.iota {dimensions = array<i32: 1>} : vector<256x1024xi32>
    %convert_element_type3A = arith.sitofp %iota3A : vector<256x1024xi32> to vector<256x1024xf32>
    %slice3A = vector.extract_strided_slice %div3A_5 {offsets = [0, 0], sizes = [256, 64], strides = [1, 1]} : vector<256x1024xf32> to vector<256x64xf32>
    %dot_general3A = arith.constant dense<0.000000e+00> : vector<256x1024xf32>
    %dot_general3A_13 = tpu.matmul %slice3A, %get3A_8, %dot_general3A {dimension_numbers = #tpu.dot_dimension_numbers<[1], [0], [0], [1], [0, 0, 1, 1], [], []>, transpose_lhs_hint = false} : vector<256x64xf32>, vector<64x1024xf32>, vector<256x1024xf32> -> vector<256x1024xf32>
    %sub3A = vector.broadcast %mul3A_12 : vector<1x1024xf32> to vector<256x1024xf32>
    %sub3A_14 = arith.subf %sub3A, %dot_general3A_13 : vector<256x1024xf32>
    %reduce_min3A = arith.constant dense<0x7F800000> : vector<256xf32>
    %reduce_min3A_15 = vector.multi_reduction <minimumf>, %sub3A_14, %reduce_min3A [1] : vector<256x1024xf32> to vector<256xf32>
    %broadcast_in_dim3A_16 = vector.shape_cast %reduce_min3A_15 : vector<256xf32> to vector<256x1xf32>
    %eq3A = vector.broadcast %broadcast_in_dim3A_16 : vector<256x1xf32> to vector<256x1024xf32>
    %eq3A_17 = arith.cmpf oeq, %sub3A_14, %eq3A : vector<256x1024xf32>
    %jit3A = arith.constant 1.024000e+03 : f32
    %broadcast_in_dim3A_18 = vector.broadcast %jit3A : f32 to vector<256x1024xf32>
    %select_n3A = arith.select %eq3A_17, %convert_element_type3A, %broadcast_in_dim3A_18 : vector<256x1024xi1>, vector<256x1024xf32>
    %reduce_min3A_19 = arith.constant dense<0x7F800000> : vector<256xf32>
    %reduce_min3A_20 = vector.multi_reduction <minimumf>, %select_n3A, %reduce_min3A_19 [1] : vector<256x1024xf32> to vector<256xf32>
    %broadcast_in_dim3A_21 = vector.shape_cast %reduce_min3A_20 : vector<256xf32> to vector<256x1xf32>
    %eq3A_22 = vector.broadcast %broadcast_in_dim3A_21 : vector<256x1xf32> to vector<256x1024xf32>
    %eq3A_23 = arith.cmpf oeq, %convert_element_type3A, %eq3A_22 : vector<256x1024xf32>
    %convert_element_type3A_24 = arith.extui %eq3A_23 : vector<256x1024xi1> to vector<256x1024xi32>
    %convert_element_type3A_25 = arith.sitofp %convert_element_type3A_24 : vector<256x1024xi32> to vector<256x1024xf32>
    %dot_general3A_26 = arith.constant dense<0.000000e+00> : vector<256x64xf32>
    %dot_general3A_27 = tpu.matmul %convert_element_type3A_25, %get3A_8, %dot_general3A_26 {dimension_numbers = #tpu.dot_dimension_numbers<[1], [1], [0], [0], [0, 0, 1, 0], [], []>, transpose_lhs_hint = false} : vector<256x1024xf32>, vector<64x1024xf32>, vector<256x64xf32> -> vector<256x64xf32>
    %slice3A_28 = vector.extract_strided_slice %div3A_5 {offsets = [0, 64], sizes = [256, 64], strides = [1, 1]} : vector<256x1024xf32> to vector<256x64xf32>
    %dot_general3A_29 = arith.constant dense<0.000000e+00> : vector<256x1024xf32>
    %dot_general3A_30 = tpu.matmul %slice3A_28, %get3A_8, %dot_general3A_29 {dimension_numbers = #tpu.dot_dimension_numbers<[1], [0], [0], [1], [0, 0, 1, 1], [], []>, transpose_lhs_hint = false} : vector<256x64xf32>, vector<64x1024xf32>, vector<256x1024xf32> -> vector<256x1024xf32>
    %sub3A_31 = vector.broadcast %mul3A_12 : vector<1x1024xf32> to vector<256x1024xf32>
    %sub3A_32 = arith.subf %sub3A_31, %dot_general3A_30 : vector<256x1024xf32>
    %reduce_min3A_33 = arith.constant dense<0x7F800000> : vector<256xf32>
    %reduce_min3A_34 = vector.multi_reduction <minimumf>, %sub3A_32, %reduce_min3A_33 [1] : vector<256x1024xf32> to vector<256xf32>
    %broadcast_in_dim3A_35 = vector.shape_cast %reduce_min3A_34 : vector<256xf32> to vector<256x1xf32>
    %eq3A_36 = vector.broadcast %broadcast_in_dim3A_35 : vector<256x1xf32> to vector<256x1024xf32>
    %eq3A_37 = arith.cmpf oeq, %sub3A_32, %eq3A_36 : vector<256x1024xf32>
    %jit3A_38 = arith.constant 1.024000e+03 : f32
    %broadcast_in_dim3A_39 = vector.broadcast %jit3A_38 : f32 to vector<256x1024xf32>
    %select_n3A_40 = arith.select %eq3A_37, %convert_element_type3A, %broadcast_in_dim3A_39 : vector<256x1024xi1>, vector<256x1024xf32>
    %reduce_min3A_41 = arith.constant dense<0x7F800000> : vector<256xf32>
    %reduce_min3A_42 = vector.multi_reduction <minimumf>, %select_n3A_40, %reduce_min3A_41 [1] : vector<256x1024xf32> to vector<256xf32>
    %broadcast_in_dim3A_43 = vector.shape_cast %reduce_min3A_42 : vector<256xf32> to vector<256x1xf32>
    %eq3A_44 = vector.broadcast %broadcast_in_dim3A_43 : vector<256x1xf32> to vector<256x1024xf32>
    %eq3A_45 = arith.cmpf oeq, %convert_element_type3A, %eq3A_44 : vector<256x1024xf32>
    %convert_element_type3A_46 = arith.extui %eq3A_45 : vector<256x1024xi1> to vector<256x1024xi32>
    %convert_element_type3A_47 = arith.sitofp %convert_element_type3A_46 : vector<256x1024xi32> to vector<256x1024xf32>
    %dot_general3A_48 = arith.constant dense<0.000000e+00> : vector<256x64xf32>
    %dot_general3A_49 = tpu.matmul %convert_element_type3A_47, %get3A_8, %dot_general3A_48 {dimension_numbers = #tpu.dot_dimension_numbers<[1], [1], [0], [0], [0, 0, 1, 0], [], []>, transpose_lhs_hint = false} : vector<256x1024xf32>, vector<64x1024xf32>, vector<256x64xf32> -> vector<256x64xf32>
    %slice3A_50 = vector.extract_strided_slice %div3A_5 {offsets = [0, 128], sizes = [256, 64], strides = [1, 1]} : vector<256x1024xf32> to vector<256x64xf32>
    %dot_general3A_51 = arith.constant dense<0.000000e+00> : vector<256x1024xf32>
    %dot_general3A_52 = tpu.matmul %slice3A_50, %get3A_8, %dot_general3A_51 {dimension_numbers = #tpu.dot_dimension_numbers<[1], [0], [0], [1], [0, 0, 1, 1], [], []>, transpose_lhs_hint = false} : vector<256x64xf32>, vector<64x1024xf32>, vector<256x1024xf32> -> vector<256x1024xf32>
    %sub3A_53 = vector.broadcast %mul3A_12 : vector<1x1024xf32> to vector<256x1024xf32>
    %sub3A_54 = arith.subf %sub3A_53, %dot_general3A_52 : vector<256x1024xf32>
    %reduce_min3A_55 = arith.constant dense<0x7F800000> : vector<256xf32>
    %reduce_min3A_56 = vector.multi_reduction <minimumf>, %sub3A_54, %reduce_min3A_55 [1] : vector<256x1024xf32> to vector<256xf32>
    %broadcast_in_dim3A_57 = vector.shape_cast %reduce_min3A_56 : vector<256xf32> to vector<256x1xf32>
    %eq3A_58 = vector.broadcast %broadcast_in_dim3A_57 : vector<256x1xf32> to vector<256x1024xf32>
    %eq3A_59 = arith.cmpf oeq, %sub3A_54, %eq3A_58 : vector<256x1024xf32>
    %jit3A_60 = arith.constant 1.024000e+03 : f32
    %broadcast_in_dim3A_61 = vector.broadcast %jit3A_60 : f32 to vector<256x1024xf32>
    %select_n3A_62 = arith.select %eq3A_59, %convert_element_type3A, %broadcast_in_dim3A_61 : vector<256x1024xi1>, vector<256x1024xf32>
    %reduce_min3A_63 = arith.constant dense<0x7F800000> : vector<256xf32>
    %reduce_min3A_64 = vector.multi_reduction <minimumf>, %select_n3A_62, %reduce_min3A_63 [1] : vector<256x1024xf32> to vector<256xf32>
    %broadcast_in_dim3A_65 = vector.shape_cast %reduce_min3A_64 : vector<256xf32> to vector<256x1xf32>
    %eq3A_66 = vector.broadcast %broadcast_in_dim3A_65 : vector<256x1xf32> to vector<256x1024xf32>
    %eq3A_67 = arith.cmpf oeq, %convert_element_type3A, %eq3A_66 : vector<256x1024xf32>
    %convert_element_type3A_68 = arith.extui %eq3A_67 : vector<256x1024xi1> to vector<256x1024xi32>
    %convert_element_type3A_69 = arith.sitofp %convert_element_type3A_68 : vector<256x1024xi32> to vector<256x1024xf32>
    %dot_general3A_70 = arith.constant dense<0.000000e+00> : vector<256x64xf32>
    %dot_general3A_71 = tpu.matmul %convert_element_type3A_69, %get3A_8, %dot_general3A_70 {dimension_numbers = #tpu.dot_dimension_numbers<[1], [1], [0], [0], [0, 0, 1, 0], [], []>, transpose_lhs_hint = false} : vector<256x1024xf32>, vector<64x1024xf32>, vector<256x64xf32> -> vector<256x64xf32>
    %slice3A_72 = vector.extract_strided_slice %div3A_5 {offsets = [0, 192], sizes = [256, 64], strides = [1, 1]} : vector<256x1024xf32> to vector<256x64xf32>
    %dot_general3A_73 = arith.constant dense<0.000000e+00> : vector<256x1024xf32>
    %dot_general3A_74 = tpu.matmul %slice3A_72, %get3A_8, %dot_general3A_73 {dimension_numbers = #tpu.dot_dimension_numbers<[1], [0], [0], [1], [0, 0, 1, 1], [], []>, transpose_lhs_hint = false} : vector<256x64xf32>, vector<64x1024xf32>, vector<256x1024xf32> -> vector<256x1024xf32>
    %sub3A_75 = vector.broadcast %mul3A_12 : vector<1x1024xf32> to vector<256x1024xf32>
    %sub3A_76 = arith.subf %sub3A_75, %dot_general3A_74 : vector<256x1024xf32>
    %reduce_min3A_77 = arith.constant dense<0x7F800000> : vector<256xf32>
    %reduce_min3A_78 = vector.multi_reduction <minimumf>, %sub3A_76, %reduce_min3A_77 [1] : vector<256x1024xf32> to vector<256xf32>
    %broadcast_in_dim3A_79 = vector.shape_cast %reduce_min3A_78 : vector<256xf32> to vector<256x1xf32>
    %eq3A_80 = vector.broadcast %broadcast_in_dim3A_79 : vector<256x1xf32> to vector<256x1024xf32>
    %eq3A_81 = arith.cmpf oeq, %sub3A_76, %eq3A_80 : vector<256x1024xf32>
    %jit3A_82 = arith.constant 1.024000e+03 : f32
    %broadcast_in_dim3A_83 = vector.broadcast %jit3A_82 : f32 to vector<256x1024xf32>
    %select_n3A_84 = arith.select %eq3A_81, %convert_element_type3A, %broadcast_in_dim3A_83 : vector<256x1024xi1>, vector<256x1024xf32>
    %reduce_min3A_85 = arith.constant dense<0x7F800000> : vector<256xf32>
    %reduce_min3A_86 = vector.multi_reduction <minimumf>, %select_n3A_84, %reduce_min3A_85 [1] : vector<256x1024xf32> to vector<256xf32>
    %broadcast_in_dim3A_87 = vector.shape_cast %reduce_min3A_86 : vector<256xf32> to vector<256x1xf32>
    %eq3A_88 = vector.broadcast %broadcast_in_dim3A_87 : vector<256x1xf32> to vector<256x1024xf32>
    %eq3A_89 = arith.cmpf oeq, %convert_element_type3A, %eq3A_88 : vector<256x1024xf32>
    %convert_element_type3A_90 = arith.extui %eq3A_89 : vector<256x1024xi1> to vector<256x1024xi32>
    %convert_element_type3A_91 = arith.sitofp %convert_element_type3A_90 : vector<256x1024xi32> to vector<256x1024xf32>
    %dot_general3A_92 = arith.constant dense<0.000000e+00> : vector<256x64xf32>
    %dot_general3A_93 = tpu.matmul %convert_element_type3A_91, %get3A_8, %dot_general3A_92 {dimension_numbers = #tpu.dot_dimension_numbers<[1], [1], [0], [0], [0, 0, 1, 0], [], []>, transpose_lhs_hint = false} : vector<256x1024xf32>, vector<64x1024xf32>, vector<256x64xf32> -> vector<256x64xf32>
    %slice3A_94 = vector.extract_strided_slice %div3A_5 {offsets = [0, 256], sizes = [256, 64], strides = [1, 1]} : vector<256x1024xf32> to vector<256x64xf32>
    %dot_general3A_95 = arith.constant dense<0.000000e+00> : vector<256x1024xf32>
    %dot_general3A_96 = tpu.matmul %slice3A_94, %get3A_8, %dot_general3A_95 {dimension_numbers = #tpu.dot_dimension_numbers<[1], [0], [0], [1], [0, 0, 1, 1], [], []>, transpose_lhs_hint = false} : vector<256x64xf32>, vector<64x1024xf32>, vector<256x1024xf32> -> vector<256x1024xf32>
    %sub3A_97 = vector.broadcast %mul3A_12 : vector<1x1024xf32> to vector<256x1024xf32>
    %sub3A_98 = arith.subf %sub3A_97, %dot_general3A_96 : vector<256x1024xf32>
    %reduce_min3A_99 = arith.constant dense<0x7F800000> : vector<256xf32>
    %reduce_min3A_100 = vector.multi_reduction <minimumf>, %sub3A_98, %reduce_min3A_99 [1] : vector<256x1024xf32> to vector<256xf32>
    %broadcast_in_dim3A_101 = vector.shape_cast %reduce_min3A_100 : vector<256xf32> to vector<256x1xf32>
    %eq3A_102 = vector.broadcast %broadcast_in_dim3A_101 : vector<256x1xf32> to vector<256x1024xf32>
    %eq3A_103 = arith.cmpf oeq, %sub3A_98, %eq3A_102 : vector<256x1024xf32>
    %jit3A_104 = arith.constant 1.024000e+03 : f32
    %broadcast_in_dim3A_105 = vector.broadcast %jit3A_104 : f32 to vector<256x1024xf32>
    %select_n3A_106 = arith.select %eq3A_103, %convert_element_type3A, %broadcast_in_dim3A_105 : vector<256x1024xi1>, vector<256x1024xf32>
    %reduce_min3A_107 = arith.constant dense<0x7F800000> : vector<256xf32>
    %reduce_min3A_108 = vector.multi_reduction <minimumf>, %select_n3A_106, %reduce_min3A_107 [1] : vector<256x1024xf32> to vector<256xf32>
    %broadcast_in_dim3A_109 = vector.shape_cast %reduce_min3A_108 : vector<256xf32> to vector<256x1xf32>
    %eq3A_110 = vector.broadcast %broadcast_in_dim3A_109 : vector<256x1xf32> to vector<256x1024xf32>
    %eq3A_111 = arith.cmpf oeq, %convert_element_type3A, %eq3A_110 : vector<256x1024xf32>
    %convert_element_type3A_112 = arith.extui %eq3A_111 : vector<256x1024xi1> to vector<256x1024xi32>
    %convert_element_type3A_113 = arith.sitofp %convert_element_type3A_112 : vector<256x1024xi32> to vector<256x1024xf32>
    %dot_general3A_114 = arith.constant dense<0.000000e+00> : vector<256x64xf32>
    %dot_general3A_115 = tpu.matmul %convert_element_type3A_113, %get3A_8, %dot_general3A_114 {dimension_numbers = #tpu.dot_dimension_numbers<[1], [1], [0], [0], [0, 0, 1, 0], [], []>, transpose_lhs_hint = false} : vector<256x1024xf32>, vector<64x1024xf32>, vector<256x64xf32> -> vector<256x64xf32>
    %slice3A_116 = vector.extract_strided_slice %div3A_5 {offsets = [0, 320], sizes = [256, 64], strides = [1, 1]} : vector<256x1024xf32> to vector<256x64xf32>
    %dot_general3A_117 = arith.constant dense<0.000000e+00> : vector<256x1024xf32>
    %dot_general3A_118 = tpu.matmul %slice3A_116, %get3A_8, %dot_general3A_117 {dimension_numbers = #tpu.dot_dimension_numbers<[1], [0], [0], [1], [0, 0, 1, 1], [], []>, transpose_lhs_hint = false} : vector<256x64xf32>, vector<64x1024xf32>, vector<256x1024xf32> -> vector<256x1024xf32>
    %sub3A_119 = vector.broadcast %mul3A_12 : vector<1x1024xf32> to vector<256x1024xf32>
    %sub3A_120 = arith.subf %sub3A_119, %dot_general3A_118 : vector<256x1024xf32>
    %reduce_min3A_121 = arith.constant dense<0x7F800000> : vector<256xf32>
    %reduce_min3A_122 = vector.multi_reduction <minimumf>, %sub3A_120, %reduce_min3A_121 [1] : vector<256x1024xf32> to vector<256xf32>
    %broadcast_in_dim3A_123 = vector.shape_cast %reduce_min3A_122 : vector<256xf32> to vector<256x1xf32>
    %eq3A_124 = vector.broadcast %broadcast_in_dim3A_123 : vector<256x1xf32> to vector<256x1024xf32>
    %eq3A_125 = arith.cmpf oeq, %sub3A_120, %eq3A_124 : vector<256x1024xf32>
    %jit3A_126 = arith.constant 1.024000e+03 : f32
    %broadcast_in_dim3A_127 = vector.broadcast %jit3A_126 : f32 to vector<256x1024xf32>
    %select_n3A_128 = arith.select %eq3A_125, %convert_element_type3A, %broadcast_in_dim3A_127 : vector<256x1024xi1>, vector<256x1024xf32>
    %reduce_min3A_129 = arith.constant dense<0x7F800000> : vector<256xf32>
    %reduce_min3A_130 = vector.multi_reduction <minimumf>, %select_n3A_128, %reduce_min3A_129 [1] : vector<256x1024xf32> to vector<256xf32>
    %broadcast_in_dim3A_131 = vector.shape_cast %reduce_min3A_130 : vector<256xf32> to vector<256x1xf32>
    %eq3A_132 = vector.broadcast %broadcast_in_dim3A_131 : vector<256x1xf32> to vector<256x1024xf32>
    %eq3A_133 = arith.cmpf oeq, %convert_element_type3A, %eq3A_132 : vector<256x1024xf32>
    %convert_element_type3A_134 = arith.extui %eq3A_133 : vector<256x1024xi1> to vector<256x1024xi32>
    %convert_element_type3A_135 = arith.sitofp %convert_element_type3A_134 : vector<256x1024xi32> to vector<256x1024xf32>
    %dot_general3A_136 = arith.constant dense<0.000000e+00> : vector<256x64xf32>
    %dot_general3A_137 = tpu.matmul %convert_element_type3A_135, %get3A_8, %dot_general3A_136 {dimension_numbers = #tpu.dot_dimension_numbers<[1], [1], [0], [0], [0, 0, 1, 0], [], []>, transpose_lhs_hint = false} : vector<256x1024xf32>, vector<64x1024xf32>, vector<256x64xf32> -> vector<256x64xf32>
    %slice3A_138 = vector.extract_strided_slice %div3A_5 {offsets = [0, 384], sizes = [256, 64], strides = [1, 1]} : vector<256x1024xf32> to vector<256x64xf32>
    %dot_general3A_139 = arith.constant dense<0.000000e+00> : vector<256x1024xf32>
    %dot_general3A_140 = tpu.matmul %slice3A_138, %get3A_8, %dot_general3A_139 {dimension_numbers = #tpu.dot_dimension_numbers<[1], [0], [0], [1], [0, 0, 1, 1], [], []>, transpose_lhs_hint = false} : vector<256x64xf32>, vector<64x1024xf32>, vector<256x1024xf32> -> vector<256x1024xf32>
    %sub3A_141 = vector.broadcast %mul3A_12 : vector<1x1024xf32> to vector<256x1024xf32>
    %sub3A_142 = arith.subf %sub3A_141, %dot_general3A_140 : vector<256x1024xf32>
    %reduce_min3A_143 = arith.constant dense<0x7F800000> : vector<256xf32>
    %reduce_min3A_144 = vector.multi_reduction <minimumf>, %sub3A_142, %reduce_min3A_143 [1] : vector<256x1024xf32> to vector<256xf32>
    %broadcast_in_dim3A_145 = vector.shape_cast %reduce_min3A_144 : vector<256xf32> to vector<256x1xf32>
    %eq3A_146 = vector.broadcast %broadcast_in_dim3A_145 : vector<256x1xf32> to vector<256x1024xf32>
    %eq3A_147 = arith.cmpf oeq, %sub3A_142, %eq3A_146 : vector<256x1024xf32>
    %jit3A_148 = arith.constant 1.024000e+03 : f32
    %broadcast_in_dim3A_149 = vector.broadcast %jit3A_148 : f32 to vector<256x1024xf32>
    %select_n3A_150 = arith.select %eq3A_147, %convert_element_type3A, %broadcast_in_dim3A_149 : vector<256x1024xi1>, vector<256x1024xf32>
    %reduce_min3A_151 = arith.constant dense<0x7F800000> : vector<256xf32>
    %reduce_min3A_152 = vector.multi_reduction <minimumf>, %select_n3A_150, %reduce_min3A_151 [1] : vector<256x1024xf32> to vector<256xf32>
    %broadcast_in_dim3A_153 = vector.shape_cast %reduce_min3A_152 : vector<256xf32> to vector<256x1xf32>
    %eq3A_154 = vector.broadcast %broadcast_in_dim3A_153 : vector<256x1xf32> to vector<256x1024xf32>
    %eq3A_155 = arith.cmpf oeq, %convert_element_type3A, %eq3A_154 : vector<256x1024xf32>
    %convert_element_type3A_156 = arith.extui %eq3A_155 : vector<256x1024xi1> to vector<256x1024xi32>
    %convert_element_type3A_157 = arith.sitofp %convert_element_type3A_156 : vector<256x1024xi32> to vector<256x1024xf32>
    %dot_general3A_158 = arith.constant dense<0.000000e+00> : vector<256x64xf32>
    %dot_general3A_159 = tpu.matmul %convert_element_type3A_157, %get3A_8, %dot_general3A_158 {dimension_numbers = #tpu.dot_dimension_numbers<[1], [1], [0], [0], [0, 0, 1, 0], [], []>, transpose_lhs_hint = false} : vector<256x1024xf32>, vector<64x1024xf32>, vector<256x64xf32> -> vector<256x64xf32>
    %slice3A_160 = vector.extract_strided_slice %div3A_5 {offsets = [0, 448], sizes = [256, 64], strides = [1, 1]} : vector<256x1024xf32> to vector<256x64xf32>
    %dot_general3A_161 = arith.constant dense<0.000000e+00> : vector<256x1024xf32>
    %dot_general3A_162 = tpu.matmul %slice3A_160, %get3A_8, %dot_general3A_161 {dimension_numbers = #tpu.dot_dimension_numbers<[1], [0], [0], [1], [0, 0, 1, 1], [], []>, transpose_lhs_hint = false} : vector<256x64xf32>, vector<64x1024xf32>, vector<256x1024xf32> -> vector<256x1024xf32>
    %sub3A_163 = vector.broadcast %mul3A_12 : vector<1x1024xf32> to vector<256x1024xf32>
    %sub3A_164 = arith.subf %sub3A_163, %dot_general3A_162 : vector<256x1024xf32>
    %reduce_min3A_165 = arith.constant dense<0x7F800000> : vector<256xf32>
    %reduce_min3A_166 = vector.multi_reduction <minimumf>, %sub3A_164, %reduce_min3A_165 [1] : vector<256x1024xf32> to vector<256xf32>
    %broadcast_in_dim3A_167 = vector.shape_cast %reduce_min3A_166 : vector<256xf32> to vector<256x1xf32>
    %eq3A_168 = vector.broadcast %broadcast_in_dim3A_167 : vector<256x1xf32> to vector<256x1024xf32>
    %eq3A_169 = arith.cmpf oeq, %sub3A_164, %eq3A_168 : vector<256x1024xf32>
    %jit3A_170 = arith.constant 1.024000e+03 : f32
    %broadcast_in_dim3A_171 = vector.broadcast %jit3A_170 : f32 to vector<256x1024xf32>
    %select_n3A_172 = arith.select %eq3A_169, %convert_element_type3A, %broadcast_in_dim3A_171 : vector<256x1024xi1>, vector<256x1024xf32>
    %reduce_min3A_173 = arith.constant dense<0x7F800000> : vector<256xf32>
    %reduce_min3A_174 = vector.multi_reduction <minimumf>, %select_n3A_172, %reduce_min3A_173 [1] : vector<256x1024xf32> to vector<256xf32>
    %broadcast_in_dim3A_175 = vector.shape_cast %reduce_min3A_174 : vector<256xf32> to vector<256x1xf32>
    %eq3A_176 = vector.broadcast %broadcast_in_dim3A_175 : vector<256x1xf32> to vector<256x1024xf32>
    %eq3A_177 = arith.cmpf oeq, %convert_element_type3A, %eq3A_176 : vector<256x1024xf32>
    %convert_element_type3A_178 = arith.extui %eq3A_177 : vector<256x1024xi1> to vector<256x1024xi32>
    %convert_element_type3A_179 = arith.sitofp %convert_element_type3A_178 : vector<256x1024xi32> to vector<256x1024xf32>
    %dot_general3A_180 = arith.constant dense<0.000000e+00> : vector<256x64xf32>
    %dot_general3A_181 = tpu.matmul %convert_element_type3A_179, %get3A_8, %dot_general3A_180 {dimension_numbers = #tpu.dot_dimension_numbers<[1], [1], [0], [0], [0, 0, 1, 0], [], []>, transpose_lhs_hint = false} : vector<256x1024xf32>, vector<64x1024xf32>, vector<256x64xf32> -> vector<256x64xf32>
    %slice3A_182 = vector.extract_strided_slice %div3A_5 {offsets = [0, 512], sizes = [256, 64], strides = [1, 1]} : vector<256x1024xf32> to vector<256x64xf32>
    %dot_general3A_183 = arith.constant dense<0.000000e+00> : vector<256x1024xf32>
    %dot_general3A_184 = tpu.matmul %slice3A_182, %get3A_8, %dot_general3A_183 {dimension_numbers = #tpu.dot_dimension_numbers<[1], [0], [0], [1], [0, 0, 1, 1], [], []>, transpose_lhs_hint = false} : vector<256x64xf32>, vector<64x1024xf32>, vector<256x1024xf32> -> vector<256x1024xf32>
    %sub3A_185 = vector.broadcast %mul3A_12 : vector<1x1024xf32> to vector<256x1024xf32>
    %sub3A_186 = arith.subf %sub3A_185, %dot_general3A_184 : vector<256x1024xf32>
    %reduce_min3A_187 = arith.constant dense<0x7F800000> : vector<256xf32>
    %reduce_min3A_188 = vector.multi_reduction <minimumf>, %sub3A_186, %reduce_min3A_187 [1] : vector<256x1024xf32> to vector<256xf32>
    %broadcast_in_dim3A_189 = vector.shape_cast %reduce_min3A_188 : vector<256xf32> to vector<256x1xf32>
    %eq3A_190 = vector.broadcast %broadcast_in_dim3A_189 : vector<256x1xf32> to vector<256x1024xf32>
    %eq3A_191 = arith.cmpf oeq, %sub3A_186, %eq3A_190 : vector<256x1024xf32>
    %jit3A_192 = arith.constant 1.024000e+03 : f32
    %broadcast_in_dim3A_193 = vector.broadcast %jit3A_192 : f32 to vector<256x1024xf32>
    %select_n3A_194 = arith.select %eq3A_191, %convert_element_type3A, %broadcast_in_dim3A_193 : vector<256x1024xi1>, vector<256x1024xf32>
    %reduce_min3A_195 = arith.constant dense<0x7F800000> : vector<256xf32>
    %reduce_min3A_196 = vector.multi_reduction <minimumf>, %select_n3A_194, %reduce_min3A_195 [1] : vector<256x1024xf32> to vector<256xf32>
    %broadcast_in_dim3A_197 = vector.shape_cast %reduce_min3A_196 : vector<256xf32> to vector<256x1xf32>
    %eq3A_198 = vector.broadcast %broadcast_in_dim3A_197 : vector<256x1xf32> to vector<256x1024xf32>
    %eq3A_199 = arith.cmpf oeq, %convert_element_type3A, %eq3A_198 : vector<256x1024xf32>
    %convert_element_type3A_200 = arith.extui %eq3A_199 : vector<256x1024xi1> to vector<256x1024xi32>
    %convert_element_type3A_201 = arith.sitofp %convert_element_type3A_200 : vector<256x1024xi32> to vector<256x1024xf32>
    %dot_general3A_202 = arith.constant dense<0.000000e+00> : vector<256x64xf32>
    %dot_general3A_203 = tpu.matmul %convert_element_type3A_201, %get3A_8, %dot_general3A_202 {dimension_numbers = #tpu.dot_dimension_numbers<[1], [1], [0], [0], [0, 0, 1, 0], [], []>, transpose_lhs_hint = false} : vector<256x1024xf32>, vector<64x1024xf32>, vector<256x64xf32> -> vector<256x64xf32>
    %slice3A_204 = vector.extract_strided_slice %div3A_5 {offsets = [0, 576], sizes = [256, 64], strides = [1, 1]} : vector<256x1024xf32> to vector<256x64xf32>
    %dot_general3A_205 = arith.constant dense<0.000000e+00> : vector<256x1024xf32>
    %dot_general3A_206 = tpu.matmul %slice3A_204, %get3A_8, %dot_general3A_205 {dimension_numbers = #tpu.dot_dimension_numbers<[1], [0], [0], [1], [0, 0, 1, 1], [], []>, transpose_lhs_hint = false} : vector<256x64xf32>, vector<64x1024xf32>, vector<256x1024xf32> -> vector<256x1024xf32>
    %sub3A_207 = vector.broadcast %mul3A_12 : vector<1x1024xf32> to vector<256x1024xf32>
    %sub3A_208 = arith.subf %sub3A_207, %dot_general3A_206 : vector<256x1024xf32>
    %reduce_min3A_209 = arith.constant dense<0x7F800000> : vector<256xf32>
    %reduce_min3A_210 = vector.multi_reduction <minimumf>, %sub3A_208, %reduce_min3A_209 [1] : vector<256x1024xf32> to vector<256xf32>
    %broadcast_in_dim3A_211 = vector.shape_cast %reduce_min3A_210 : vector<256xf32> to vector<256x1xf32>
    %eq3A_212 = vector.broadcast %broadcast_in_dim3A_211 : vector<256x1xf32> to vector<256x1024xf32>
    %eq3A_213 = arith.cmpf oeq, %sub3A_208, %eq3A_212 : vector<256x1024xf32>
    %jit3A_214 = arith.constant 1.024000e+03 : f32
    %broadcast_in_dim3A_215 = vector.broadcast %jit3A_214 : f32 to vector<256x1024xf32>
    %select_n3A_216 = arith.select %eq3A_213, %convert_element_type3A, %broadcast_in_dim3A_215 : vector<256x1024xi1>, vector<256x1024xf32>
    %reduce_min3A_217 = arith.constant dense<0x7F800000> : vector<256xf32>
    %reduce_min3A_218 = vector.multi_reduction <minimumf>, %select_n3A_216, %reduce_min3A_217 [1] : vector<256x1024xf32> to vector<256xf32>
    %broadcast_in_dim3A_219 = vector.shape_cast %reduce_min3A_218 : vector<256xf32> to vector<256x1xf32>
    %eq3A_220 = vector.broadcast %broadcast_in_dim3A_219 : vector<256x1xf32> to vector<256x1024xf32>
    %eq3A_221 = arith.cmpf oeq, %convert_element_type3A, %eq3A_220 : vector<256x1024xf32>
    %convert_element_type3A_222 = arith.extui %eq3A_221 : vector<256x1024xi1> to vector<256x1024xi32>
    %convert_element_type3A_223 = arith.sitofp %convert_element_type3A_222 : vector<256x1024xi32> to vector<256x1024xf32>
    %dot_general3A_224 = arith.constant dense<0.000000e+00> : vector<256x64xf32>
    %dot_general3A_225 = tpu.matmul %convert_element_type3A_223, %get3A_8, %dot_general3A_224 {dimension_numbers = #tpu.dot_dimension_numbers<[1], [1], [0], [0], [0, 0, 1, 0], [], []>, transpose_lhs_hint = false} : vector<256x1024xf32>, vector<64x1024xf32>, vector<256x64xf32> -> vector<256x64xf32>
    %slice3A_226 = vector.extract_strided_slice %div3A_5 {offsets = [0, 640], sizes = [256, 64], strides = [1, 1]} : vector<256x1024xf32> to vector<256x64xf32>
    %dot_general3A_227 = arith.constant dense<0.000000e+00> : vector<256x1024xf32>
    %dot_general3A_228 = tpu.matmul %slice3A_226, %get3A_8, %dot_general3A_227 {dimension_numbers = #tpu.dot_dimension_numbers<[1], [0], [0], [1], [0, 0, 1, 1], [], []>, transpose_lhs_hint = false} : vector<256x64xf32>, vector<64x1024xf32>, vector<256x1024xf32> -> vector<256x1024xf32>
    %sub3A_229 = vector.broadcast %mul3A_12 : vector<1x1024xf32> to vector<256x1024xf32>
    %sub3A_230 = arith.subf %sub3A_229, %dot_general3A_228 : vector<256x1024xf32>
    %reduce_min3A_231 = arith.constant dense<0x7F800000> : vector<256xf32>
    %reduce_min3A_232 = vector.multi_reduction <minimumf>, %sub3A_230, %reduce_min3A_231 [1] : vector<256x1024xf32> to vector<256xf32>
    %broadcast_in_dim3A_233 = vector.shape_cast %reduce_min3A_232 : vector<256xf32> to vector<256x1xf32>
    %eq3A_234 = vector.broadcast %broadcast_in_dim3A_233 : vector<256x1xf32> to vector<256x1024xf32>
    %eq3A_235 = arith.cmpf oeq, %sub3A_230, %eq3A_234 : vector<256x1024xf32>
    %jit3A_236 = arith.constant 1.024000e+03 : f32
    %broadcast_in_dim3A_237 = vector.broadcast %jit3A_236 : f32 to vector<256x1024xf32>
    %select_n3A_238 = arith.select %eq3A_235, %convert_element_type3A, %broadcast_in_dim3A_237 : vector<256x1024xi1>, vector<256x1024xf32>
    %reduce_min3A_239 = arith.constant dense<0x7F800000> : vector<256xf32>
    %reduce_min3A_240 = vector.multi_reduction <minimumf>, %select_n3A_238, %reduce_min3A_239 [1] : vector<256x1024xf32> to vector<256xf32>
    %broadcast_in_dim3A_241 = vector.shape_cast %reduce_min3A_240 : vector<256xf32> to vector<256x1xf32>
    %eq3A_242 = vector.broadcast %broadcast_in_dim3A_241 : vector<256x1xf32> to vector<256x1024xf32>
    %eq3A_243 = arith.cmpf oeq, %convert_element_type3A, %eq3A_242 : vector<256x1024xf32>
    %convert_element_type3A_244 = arith.extui %eq3A_243 : vector<256x1024xi1> to vector<256x1024xi32>
    %convert_element_type3A_245 = arith.sitofp %convert_element_type3A_244 : vector<256x1024xi32> to vector<256x1024xf32>
    %dot_general3A_246 = arith.constant dense<0.000000e+00> : vector<256x64xf32>
    %dot_general3A_247 = tpu.matmul %convert_element_type3A_245, %get3A_8, %dot_general3A_246 {dimension_numbers = #tpu.dot_dimension_numbers<[1], [1], [0], [0], [0, 0, 1, 0], [], []>, transpose_lhs_hint = false} : vector<256x1024xf32>, vector<64x1024xf32>, vector<256x64xf32> -> vector<256x64xf32>
    %slice3A_248 = vector.extract_strided_slice %div3A_5 {offsets = [0, 704], sizes = [256, 64], strides = [1, 1]} : vector<256x1024xf32> to vector<256x64xf32>
    %dot_general3A_249 = arith.constant dense<0.000000e+00> : vector<256x1024xf32>
    %dot_general3A_250 = tpu.matmul %slice3A_248, %get3A_8, %dot_general3A_249 {dimension_numbers = #tpu.dot_dimension_numbers<[1], [0], [0], [1], [0, 0, 1, 1], [], []>, transpose_lhs_hint = false} : vector<256x64xf32>, vector<64x1024xf32>, vector<256x1024xf32> -> vector<256x1024xf32>
    %sub3A_251 = vector.broadcast %mul3A_12 : vector<1x1024xf32> to vector<256x1024xf32>
    %sub3A_252 = arith.subf %sub3A_251, %dot_general3A_250 : vector<256x1024xf32>
    %reduce_min3A_253 = arith.constant dense<0x7F800000> : vector<256xf32>
    %reduce_min3A_254 = vector.multi_reduction <minimumf>, %sub3A_252, %reduce_min3A_253 [1] : vector<256x1024xf32> to vector<256xf32>
    %broadcast_in_dim3A_255 = vector.shape_cast %reduce_min3A_254 : vector<256xf32> to vector<256x1xf32>
    %eq3A_256 = vector.broadcast %broadcast_in_dim3A_255 : vector<256x1xf32> to vector<256x1024xf32>
    %eq3A_257 = arith.cmpf oeq, %sub3A_252, %eq3A_256 : vector<256x1024xf32>
    %jit3A_258 = arith.constant 1.024000e+03 : f32
    %broadcast_in_dim3A_259 = vector.broadcast %jit3A_258 : f32 to vector<256x1024xf32>
    %select_n3A_260 = arith.select %eq3A_257, %convert_element_type3A, %broadcast_in_dim3A_259 : vector<256x1024xi1>, vector<256x1024xf32>
    %reduce_min3A_261 = arith.constant dense<0x7F800000> : vector<256xf32>
    %reduce_min3A_262 = vector.multi_reduction <minimumf>, %select_n3A_260, %reduce_min3A_261 [1] : vector<256x1024xf32> to vector<256xf32>
    %broadcast_in_dim3A_263 = vector.shape_cast %reduce_min3A_262 : vector<256xf32> to vector<256x1xf32>
    %eq3A_264 = vector.broadcast %broadcast_in_dim3A_263 : vector<256x1xf32> to vector<256x1024xf32>
    %eq3A_265 = arith.cmpf oeq, %convert_element_type3A, %eq3A_264 : vector<256x1024xf32>
    %convert_element_type3A_266 = arith.extui %eq3A_265 : vector<256x1024xi1> to vector<256x1024xi32>
    %convert_element_type3A_267 = arith.sitofp %convert_element_type3A_266 : vector<256x1024xi32> to vector<256x1024xf32>
    %dot_general3A_268 = arith.constant dense<0.000000e+00> : vector<256x64xf32>
    %dot_general3A_269 = tpu.matmul %convert_element_type3A_267, %get3A_8, %dot_general3A_268 {dimension_numbers = #tpu.dot_dimension_numbers<[1], [1], [0], [0], [0, 0, 1, 0], [], []>, transpose_lhs_hint = false} : vector<256x1024xf32>, vector<64x1024xf32>, vector<256x64xf32> -> vector<256x64xf32>
    %slice3A_270 = vector.extract_strided_slice %div3A_5 {offsets = [0, 768], sizes = [256, 64], strides = [1, 1]} : vector<256x1024xf32> to vector<256x64xf32>
    %dot_general3A_271 = arith.constant dense<0.000000e+00> : vector<256x1024xf32>
    %dot_general3A_272 = tpu.matmul %slice3A_270, %get3A_8, %dot_general3A_271 {dimension_numbers = #tpu.dot_dimension_numbers<[1], [0], [0], [1], [0, 0, 1, 1], [], []>, transpose_lhs_hint = false} : vector<256x64xf32>, vector<64x1024xf32>, vector<256x1024xf32> -> vector<256x1024xf32>
    %sub3A_273 = vector.broadcast %mul3A_12 : vector<1x1024xf32> to vector<256x1024xf32>
    %sub3A_274 = arith.subf %sub3A_273, %dot_general3A_272 : vector<256x1024xf32>
    %reduce_min3A_275 = arith.constant dense<0x7F800000> : vector<256xf32>
    %reduce_min3A_276 = vector.multi_reduction <minimumf>, %sub3A_274, %reduce_min3A_275 [1] : vector<256x1024xf32> to vector<256xf32>
    %broadcast_in_dim3A_277 = vector.shape_cast %reduce_min3A_276 : vector<256xf32> to vector<256x1xf32>
    %eq3A_278 = vector.broadcast %broadcast_in_dim3A_277 : vector<256x1xf32> to vector<256x1024xf32>
    %eq3A_279 = arith.cmpf oeq, %sub3A_274, %eq3A_278 : vector<256x1024xf32>
    %jit3A_280 = arith.constant 1.024000e+03 : f32
    %broadcast_in_dim3A_281 = vector.broadcast %jit3A_280 : f32 to vector<256x1024xf32>
    %select_n3A_282 = arith.select %eq3A_279, %convert_element_type3A, %broadcast_in_dim3A_281 : vector<256x1024xi1>, vector<256x1024xf32>
    %reduce_min3A_283 = arith.constant dense<0x7F800000> : vector<256xf32>
    %reduce_min3A_284 = vector.multi_reduction <minimumf>, %select_n3A_282, %reduce_min3A_283 [1] : vector<256x1024xf32> to vector<256xf32>
    %broadcast_in_dim3A_285 = vector.shape_cast %reduce_min3A_284 : vector<256xf32> to vector<256x1xf32>
    %eq3A_286 = vector.broadcast %broadcast_in_dim3A_285 : vector<256x1xf32> to vector<256x1024xf32>
    %eq3A_287 = arith.cmpf oeq, %convert_element_type3A, %eq3A_286 : vector<256x1024xf32>
    %convert_element_type3A_288 = arith.extui %eq3A_287 : vector<256x1024xi1> to vector<256x1024xi32>
    %convert_element_type3A_289 = arith.sitofp %convert_element_type3A_288 : vector<256x1024xi32> to vector<256x1024xf32>
    %dot_general3A_290 = arith.constant dense<0.000000e+00> : vector<256x64xf32>
    %dot_general3A_291 = tpu.matmul %convert_element_type3A_289, %get3A_8, %dot_general3A_290 {dimension_numbers = #tpu.dot_dimension_numbers<[1], [1], [0], [0], [0, 0, 1, 0], [], []>, transpose_lhs_hint = false} : vector<256x1024xf32>, vector<64x1024xf32>, vector<256x64xf32> -> vector<256x64xf32>
    %slice3A_292 = vector.extract_strided_slice %div3A_5 {offsets = [0, 832], sizes = [256, 64], strides = [1, 1]} : vector<256x1024xf32> to vector<256x64xf32>
    %dot_general3A_293 = arith.constant dense<0.000000e+00> : vector<256x1024xf32>
    %dot_general3A_294 = tpu.matmul %slice3A_292, %get3A_8, %dot_general3A_293 {dimension_numbers = #tpu.dot_dimension_numbers<[1], [0], [0], [1], [0, 0, 1, 1], [], []>, transpose_lhs_hint = false} : vector<256x64xf32>, vector<64x1024xf32>, vector<256x1024xf32> -> vector<256x1024xf32>
    %sub3A_295 = vector.broadcast %mul3A_12 : vector<1x1024xf32> to vector<256x1024xf32>
    %sub3A_296 = arith.subf %sub3A_295, %dot_general3A_294 : vector<256x1024xf32>
    %reduce_min3A_297 = arith.constant dense<0x7F800000> : vector<256xf32>
    %reduce_min3A_298 = vector.multi_reduction <minimumf>, %sub3A_296, %reduce_min3A_297 [1] : vector<256x1024xf32> to vector<256xf32>
    %broadcast_in_dim3A_299 = vector.shape_cast %reduce_min3A_298 : vector<256xf32> to vector<256x1xf32>
    %eq3A_300 = vector.broadcast %broadcast_in_dim3A_299 : vector<256x1xf32> to vector<256x1024xf32>
    %eq3A_301 = arith.cmpf oeq, %sub3A_296, %eq3A_300 : vector<256x1024xf32>
    %jit3A_302 = arith.constant 1.024000e+03 : f32
    %broadcast_in_dim3A_303 = vector.broadcast %jit3A_302 : f32 to vector<256x1024xf32>
    %select_n3A_304 = arith.select %eq3A_301, %convert_element_type3A, %broadcast_in_dim3A_303 : vector<256x1024xi1>, vector<256x1024xf32>
    %reduce_min3A_305 = arith.constant dense<0x7F800000> : vector<256xf32>
    %reduce_min3A_306 = vector.multi_reduction <minimumf>, %select_n3A_304, %reduce_min3A_305 [1] : vector<256x1024xf32> to vector<256xf32>
    %broadcast_in_dim3A_307 = vector.shape_cast %reduce_min3A_306 : vector<256xf32> to vector<256x1xf32>
    %eq3A_308 = vector.broadcast %broadcast_in_dim3A_307 : vector<256x1xf32> to vector<256x1024xf32>
    %eq3A_309 = arith.cmpf oeq, %convert_element_type3A, %eq3A_308 : vector<256x1024xf32>
    %convert_element_type3A_310 = arith.extui %eq3A_309 : vector<256x1024xi1> to vector<256x1024xi32>
    %convert_element_type3A_311 = arith.sitofp %convert_element_type3A_310 : vector<256x1024xi32> to vector<256x1024xf32>
    %dot_general3A_312 = arith.constant dense<0.000000e+00> : vector<256x64xf32>
    %dot_general3A_313 = tpu.matmul %convert_element_type3A_311, %get3A_8, %dot_general3A_312 {dimension_numbers = #tpu.dot_dimension_numbers<[1], [1], [0], [0], [0, 0, 1, 0], [], []>, transpose_lhs_hint = false} : vector<256x1024xf32>, vector<64x1024xf32>, vector<256x64xf32> -> vector<256x64xf32>
    %slice3A_314 = vector.extract_strided_slice %div3A_5 {offsets = [0, 896], sizes = [256, 64], strides = [1, 1]} : vector<256x1024xf32> to vector<256x64xf32>
    %dot_general3A_315 = arith.constant dense<0.000000e+00> : vector<256x1024xf32>
    %dot_general3A_316 = tpu.matmul %slice3A_314, %get3A_8, %dot_general3A_315 {dimension_numbers = #tpu.dot_dimension_numbers<[1], [0], [0], [1], [0, 0, 1, 1], [], []>, transpose_lhs_hint = false} : vector<256x64xf32>, vector<64x1024xf32>, vector<256x1024xf32> -> vector<256x1024xf32>
    %sub3A_317 = vector.broadcast %mul3A_12 : vector<1x1024xf32> to vector<256x1024xf32>
    %sub3A_318 = arith.subf %sub3A_317, %dot_general3A_316 : vector<256x1024xf32>
    %reduce_min3A_319 = arith.constant dense<0x7F800000> : vector<256xf32>
    %reduce_min3A_320 = vector.multi_reduction <minimumf>, %sub3A_318, %reduce_min3A_319 [1] : vector<256x1024xf32> to vector<256xf32>
    %broadcast_in_dim3A_321 = vector.shape_cast %reduce_min3A_320 : vector<256xf32> to vector<256x1xf32>
    %eq3A_322 = vector.broadcast %broadcast_in_dim3A_321 : vector<256x1xf32> to vector<256x1024xf32>
    %eq3A_323 = arith.cmpf oeq, %sub3A_318, %eq3A_322 : vector<256x1024xf32>
    %jit3A_324 = arith.constant 1.024000e+03 : f32
    %broadcast_in_dim3A_325 = vector.broadcast %jit3A_324 : f32 to vector<256x1024xf32>
    %select_n3A_326 = arith.select %eq3A_323, %convert_element_type3A, %broadcast_in_dim3A_325 : vector<256x1024xi1>, vector<256x1024xf32>
    %reduce_min3A_327 = arith.constant dense<0x7F800000> : vector<256xf32>
    %reduce_min3A_328 = vector.multi_reduction <minimumf>, %select_n3A_326, %reduce_min3A_327 [1] : vector<256x1024xf32> to vector<256xf32>
    %broadcast_in_dim3A_329 = vector.shape_cast %reduce_min3A_328 : vector<256xf32> to vector<256x1xf32>
    %eq3A_330 = vector.broadcast %broadcast_in_dim3A_329 : vector<256x1xf32> to vector<256x1024xf32>
    %eq3A_331 = arith.cmpf oeq, %convert_element_type3A, %eq3A_330 : vector<256x1024xf32>
    %convert_element_type3A_332 = arith.extui %eq3A_331 : vector<256x1024xi1> to vector<256x1024xi32>
    %convert_element_type3A_333 = arith.sitofp %convert_element_type3A_332 : vector<256x1024xi32> to vector<256x1024xf32>
    %dot_general3A_334 = arith.constant dense<0.000000e+00> : vector<256x64xf32>
    %dot_general3A_335 = tpu.matmul %convert_element_type3A_333, %get3A_8, %dot_general3A_334 {dimension_numbers = #tpu.dot_dimension_numbers<[1], [1], [0], [0], [0, 0, 1, 0], [], []>, transpose_lhs_hint = false} : vector<256x1024xf32>, vector<64x1024xf32>, vector<256x64xf32> -> vector<256x64xf32>
    %slice3A_336 = vector.extract_strided_slice %div3A_5 {offsets = [0, 960], sizes = [256, 64], strides = [1, 1]} : vector<256x1024xf32> to vector<256x64xf32>
    %dot_general3A_337 = arith.constant dense<0.000000e+00> : vector<256x1024xf32>
    %dot_general3A_338 = tpu.matmul %slice3A_336, %get3A_8, %dot_general3A_337 {dimension_numbers = #tpu.dot_dimension_numbers<[1], [0], [0], [1], [0, 0, 1, 1], [], []>, transpose_lhs_hint = false} : vector<256x64xf32>, vector<64x1024xf32>, vector<256x1024xf32> -> vector<256x1024xf32>
    %sub3A_339 = vector.broadcast %mul3A_12 : vector<1x1024xf32> to vector<256x1024xf32>
    %sub3A_340 = arith.subf %sub3A_339, %dot_general3A_338 : vector<256x1024xf32>
    %reduce_min3A_341 = arith.constant dense<0x7F800000> : vector<256xf32>
    %reduce_min3A_342 = vector.multi_reduction <minimumf>, %sub3A_340, %reduce_min3A_341 [1] : vector<256x1024xf32> to vector<256xf32>
    %broadcast_in_dim3A_343 = vector.shape_cast %reduce_min3A_342 : vector<256xf32> to vector<256x1xf32>
    %eq3A_344 = vector.broadcast %broadcast_in_dim3A_343 : vector<256x1xf32> to vector<256x1024xf32>
    %eq3A_345 = arith.cmpf oeq, %sub3A_340, %eq3A_344 : vector<256x1024xf32>
    %jit3A_346 = arith.constant 1.024000e+03 : f32
    %broadcast_in_dim3A_347 = vector.broadcast %jit3A_346 : f32 to vector<256x1024xf32>
    %select_n3A_348 = arith.select %eq3A_345, %convert_element_type3A, %broadcast_in_dim3A_347 : vector<256x1024xi1>, vector<256x1024xf32>
    %reduce_min3A_349 = arith.constant dense<0x7F800000> : vector<256xf32>
    %reduce_min3A_350 = vector.multi_reduction <minimumf>, %select_n3A_348, %reduce_min3A_349 [1] : vector<256x1024xf32> to vector<256xf32>
    %broadcast_in_dim3A_351 = vector.shape_cast %reduce_min3A_350 : vector<256xf32> to vector<256x1xf32>
    %eq3A_352 = vector.broadcast %broadcast_in_dim3A_351 : vector<256x1xf32> to vector<256x1024xf32>
    %eq3A_353 = arith.cmpf oeq, %convert_element_type3A, %eq3A_352 : vector<256x1024xf32>
    %convert_element_type3A_354 = arith.extui %eq3A_353 : vector<256x1024xi1> to vector<256x1024xi32>
    %convert_element_type3A_355 = arith.sitofp %convert_element_type3A_354 : vector<256x1024xi32> to vector<256x1024xf32>
    %dot_general3A_356 = arith.constant dense<0.000000e+00> : vector<256x64xf32>
    %dot_general3A_357 = tpu.matmul %convert_element_type3A_355, %get3A_8, %dot_general3A_356 {dimension_numbers = #tpu.dot_dimension_numbers<[1], [1], [0], [0], [0, 0, 1, 0], [], []>, transpose_lhs_hint = false} : vector<256x1024xf32>, vector<64x1024xf32>, vector<256x64xf32> -> vector<256x64xf32>
    %concatenate3A = tpu.concatenate %dot_general3A_27, %dot_general3A_49, %dot_general3A_71, %dot_general3A_93, %dot_general3A_115, %dot_general3A_137, %dot_general3A_159, %dot_general3A_181, %dot_general3A_203, %dot_general3A_225, %dot_general3A_247, %dot_general3A_269, %dot_general3A_291, %dot_general3A_313, %dot_general3A_335, %dot_general3A_357 in 1 : vector<256x64xf32>, vector<256x64xf32>, vector<256x64xf32>, vector<256x64xf32>, vector<256x64xf32>, vector<256x64xf32>, vector<256x64xf32>, vector<256x64xf32>, vector<256x64xf32>, vector<256x64xf32>, vector<256x64xf32>, vector<256x64xf32>, vector<256x64xf32>, vector<256x64xf32>, vector<256x64xf32>, vector<256x64xf32> -> vector<256x1024xf32>
    %swap3A = arith.constant 0 : index
    %swap3A_358 = arith.constant 0 : index
    %swap3A_359 = vector.load %arg4[%swap3A, %swap3A_358] : memref<256x1024xf32, #tpu.memory_space<vmem>>, vector<256x1024xf32>
    tpu.vector_store %arg4[%swap3A, %swap3A_358], %concatenate3A {strides = array<i32>} : memref<256x1024xf32, #tpu.memory_space<vmem>>, vector<256x1024xf32>,
    return
  }
  func.func @transform_0(%arg0: i32) -> (i32, i32) {
    %c0_i32 = arith.constant 0 : i32
    %c0_i32_0 = arith.constant 0 : i32
    return %arg0, %c0_i32 : i32, i32
  }
  func.func @transform_1(%arg0: i32) -> (i32, i32) {
    %c0_i32 = arith.constant 0 : i32
    %c0_i32_0 = arith.constant 0 : i32
    return %arg0, %c0_i32 : i32, i32
  }
  func.func @transform_2(%arg0: i32) -> (i32, i32) {
    %c0_i32 = arith.constant 0 : i32
    %c0_i32_0 = arith.constant 0 : i32
    %c0_i32_1 = arith.constant 0 : i32
    return %c0_i32, %c0_i32_0 : i32, i32
  }
  func.func @transform_3(%arg0: i32) -> (i32, i32) {
    %c0_i32 = arith.constant 0 : i32
    %c0_i32_0 = arith.constant 0 : i32
    return %arg0, %c0_i32 : i32, i32
  }
}

module attributes {stable_mosaic.version = 14 : i64} {
  func.func @_mm_body(%arg0: i32, %arg1: memref<2048x256xf32, #tpu.memory_space<vmem>>, %arg2: memref<2048x1xf32, #tpu.memory_space<vmem>>, %arg3: memref<256x1024xf32, #tpu.memory_space<vmem>>, %arg4: memref<256x1xf32, #tpu.memory_space<vmem>>, %arg5: memref<2048x1024xf32, #tpu.memory_space<vmem>>) attributes {dimension_semantics = [#tpu.dimension_semantics<arbitrary>], iteration_bounds = array<i64: 8>, scalar_prefetch = 0 : i64, scratch_operands = 0 : i64, tpu.core_type = #tpu.core_type<tc>, window_params = [{transform_indices = @transform_0, window_bounds = array<i64: 2048, 256>}, {transform_indices = @transform_1, window_bounds = array<i64: 2048, 1>}, {pipeline_mode = #tpu.pipeline_mode<synchronous>, transform_indices = @transform_2, window_bounds = array<i64: 256, 1024>}, {pipeline_mode = #tpu.pipeline_mode<synchronous>, transform_indices = @transform_3, window_bounds = array<i64: 256, 1>}, {transform_indices = @transform_4, window_bounds = array<i64: 2048, 1024>}]} {
    %get3A = arith.constant 0 : index
    %get3A_0 = arith.constant 0 : index
    %get3A_1 = vector.load %arg1[%get3A, %get3A_0] : memref<2048x256xf32, #tpu.memory_space<vmem>>, vector<2048x256xf32>
    %get3A_2 = arith.constant 0 : index
    %get3A_3 = arith.constant 0 : index
    %get3A_4 = vector.load %arg2[%get3A_2, %get3A_3] : memref<2048x1xf32, #tpu.memory_space<vmem>>, vector<2048x1xf32>
    %mul3A = vector.broadcast %get3A_4 : vector<2048x1xf32> to vector<2048x256xf32>
    %mul3A_5 = arith.mulf %get3A_1, %mul3A : vector<2048x256xf32>
    %get3A_6 = arith.constant 0 : index
    %get3A_7 = arith.constant 0 : index
    %get3A_8 = vector.load %arg3[%get3A_6, %get3A_7] : memref<256x1024xf32, #tpu.memory_space<vmem>>, vector<256x1024xf32>
    %get3A_9 = arith.constant 0 : index
    %get3A_10 = arith.constant 0 : index
    %get3A_11 = vector.load %arg4[%get3A_9, %get3A_10] : memref<256x1xf32, #tpu.memory_space<vmem>>, vector<256x1xf32>
    %mul3A_12 = vector.broadcast %get3A_11 : vector<256x1xf32> to vector<256x1024xf32>
    %mul3A_13 = arith.mulf %get3A_8, %mul3A_12 : vector<256x1024xf32>
    %dot_general3A = arith.constant dense<0.000000e+00> : vector<2048x1024xf32>
    %dot_general3A_14 = tpu.matmul %mul3A_5, %mul3A_13, %dot_general3A {dimension_numbers = #tpu.dot_dimension_numbers<[1], [0], [0], [1], [0, 0, 1, 1], [], []>, transpose_lhs_hint = false} : vector<2048x256xf32>, vector<256x1024xf32>, vector<2048x1024xf32> -> vector<2048x1024xf32>
    %swap3A = arith.constant 0 : index
    %swap3A_15 = arith.constant 0 : index
    %swap3A_16 = vector.load %arg5[%swap3A, %swap3A_15] : memref<2048x1024xf32, #tpu.memory_space<vmem>>, vector<2048x1024xf32>
    tpu.vector_store %arg5[%swap3A, %swap3A_15], %dot_general3A_14 {strides = array<i32>} : memref<2048x1024xf32, #tpu.memory_space<vmem>>, vector<2048x1024xf32>,
    return
  }
  func.func @transform_0(%arg0: i32) -> (i32, i32) {
    %c0_i32 = arith.constant 0 : i32
    %c0_i32_0 = arith.constant 0 : i32
    return %arg0, %c0_i32 : i32, i32
  }
  func.func @transform_1(%arg0: i32) -> (i32, i32) {
    %c0_i32 = arith.constant 0 : i32
    %c0_i32_0 = arith.constant 0 : i32
    return %arg0, %c0_i32 : i32, i32
  }
  func.func @transform_2(%arg0: i32) -> (i32, i32) {
    %c0_i32 = arith.constant 0 : i32
    %c0_i32_0 = arith.constant 0 : i32
    %c0_i32_1 = arith.constant 0 : i32
    return %c0_i32, %c0_i32_0 : i32, i32
  }
  func.func @transform_3(%arg0: i32) -> (i32, i32) {
    %c0_i32 = arith.constant 0 : i32
    %c0_i32_0 = arith.constant 0 : i32
    %c0_i32_1 = arith.constant 0 : i32
    return %c0_i32, %c0_i32_0 : i32, i32
  }
  func.func @transform_4(%arg0: i32) -> (i32, i32) {
    %c0_i32 = arith.constant 0 : i32
    %c0_i32_0 = arith.constant 0 : i32
    return %arg0, %c0_i32 : i32, i32
  }
}

</mosaic_0001>

<sc_bundles>
// kernel: kernel.6.cloned.1.call-start
scs
__scs_entry_jumppad:
0x0: {  	(pc) =	sbr.rel $0x88, $3  }
0x1: {  	(tag) =	ssettag $0x0;
	lr =	simm.s32 $0x1  }
0x2: {  	[smem:$0x3F9B] =	sst lr;
	_ =	strace $0xD0000000  }
0x3: {  	_ = 	snop  }
0x4: {  	_ = 	snop  }
0x5: {  	_ = 	snop  }
0x6: {  	_ = 	snop  }
0x7: {  	_ = 	snop  }
__scs_overlays_trampoline_lowered:
0x8: {  	[smem:$0x3FAA] =	sst s0  }
0x9: {  	[smem:$0x3FAB] =	sst s1  }
0xa: {  	[smem:$0x3FAC] =	sst s2  }
0xb: {  	[smem:$0x3FAD] =	sst s3  }
0xc: {  	[smem:$0x3FAE] =	sst s4  }
0xd: {  	[smem:$0x3FAF] =	sst s5  }
0xe: {  	[smem:$0x3FB0] =	sst s6  }
0xf: {  	[smem:$0x3FB1] =	sst s7  }
0x10: {  	[smem:$0x3FB2] =	sst s8  }
0x11: {  	[smem:$0x3FB3] =	sst s9;
	s0 =	simm.s32 @!p0 $0x0  }
0x12: {  	s1 =	sld [smem:$0x3F99];
	s0 =	simm.s32 @p0 $0x1  }
0x13: {  	[smem:$0x3FB4] =	sst s0;
	s0 =	simm.s32 @!p1 $0x0  }
0x14: {  	s2 =	sld [smem:$0x3F98];
	s0 =	simm.s32 @p1 $0x1  }
0x15: {  	[smem:$0x3FB5] =	sst s0;
	s0 =	simm.s32 @!p2 $0x0  }
0x16: {  	s3 =	sld [smem:$0x3FDB];
	s0 =	simm.s32 @p2 $0x1  }
0x17: {  	s4 =	simm.s32 $0x1BF5;
	[smem:$0x3FB7] =	sst s0  }
0x18: {  	s0 =	sld [smem:$0x3F9A];
	_ =	swait.ge [sflag:s4], $0x0  }
0x19: {  	s7 =	sld [smem:$0x3F9B]  }
0x1a: {  	s8 =	sadd.s32 $0xFFFFE003, lr  }
0x1b: {  	s9 =	sadd.s32 $0xFFFFFEF7, lr;
	s5 =	simm.s32 $0xFFFFFFFF;
	p2 =	slt.u32 s8, $0xFFFFF086  }
0x1c: {  	p1 =	slt.u32 s9, $0xF7A;
	s5 =	simm.s32 @!p2 $0x0  }
0x1d: {  	s5 =	simm.s32 @p1 $0x1;
	p0 =	seq.s32 s7, s2  }
0x1e: {  	s7 =	smul.u32 @!p0 $0xF7A, s2;
	p2 =	seq.s32 @!p0 s5, $0x0  }
0x1f: {  	s9 =	smul.u32 $0xF7A, s1;
	s8 =	simm.s32 @!p0 $0x1BF5;
	p2 =	por !p2, p0  }
0x20: {  	[sflag:s8] =	ssyncset.s32 @!p0 $0xFFFFF086;
	s6 =	sadd.s32 @!p0 s3, s7;
	s7 =	simm.s32 @!p0 $0x108  }
0x21: {  	s3 =	sadd.s32 s3, s9;
	s6 =	sadd.s32 @!p0 $0x88, s6;
	s7 =	simm.s32 @p2 $0x1082  }
0x22: {  	[simem:s7], [sflag:s8] =	dma.local @!p0 [hbm:s6], $0xF7A  }
0x23: {  	s9 =	sor.u32 $0xD0000000, s2;
	s6 =	simm.s32 $0x108;
	_ =	swait.ge @!p0 [sflag:s8], $0x0  }
0x24: {  	s3 =	sadd.s32 $0x88, s3;
	s6 =	simm.s32 @!p1 $0x1082;
	[sflag:s4] =	ssyncset.s32 $0xFFFFF086  }
0x25: {  	[simem:s6], [sflag:s4] =	dma.local [hbm:s3], $0xF7A  }
0x26: {  	[smem:$0x3F9B] =	sst s1;
	(tag) =	ssettag s2;
	_ =	strace s9  }
0x27: {  	s1 =	sld [smem:$0x3FAB]  }
0x28: {  	s2 =	sld [smem:$0x3FAC]  }
0x29: {  	s4 =	sld [smem:$0x3FAE]  }
0x2a: {  	p0 =	seq.s32 s5, $0x0;
	s5 =	sld [smem:$0x3FAF]  }
0x2b: {  	s6 =	sld [smem:$0x3FB0]  }
0x2c: {  	s7 =	sld [smem:$0x3FB1]  }
0x2d: {  	s3 =	simm.s32 $0x108;
	s8 =	sld [smem:$0x3FB2]  }
0x2e: {  	s3 =	simm.s32 @!p0 $0x1082;
	s9 =	sld [smem:$0x3FB3]  }
0x2f: {  	lr =	sadd.s32 s0, s3;
	s0 =	sld [smem:$0x3FAA]  }
0x30: {  	s3 =	sld [smem:$0x3FAD]  }
0x31: {  	[smem:$0x3FB6] =	sst s10  }
0x32: {  	s10 =	sld [smem:$0x3FB4];
	_ =	sdelay $0x3  }
0x33: {  	p0 =	seq.s32 s10, $0x1;
	s10 =	sld [smem:$0x3FB6];
	_ =	sdelay $0x3  }
0x34: {  	[smem:$0x3FB6] =	sst s10  }
0x35: {  	s10 =	sld [smem:$0x3FB5];
	_ =	sdelay $0x3  }
0x36: {  	p1 =	seq.s32 s10, $0x1;
	s10 =	sld [smem:$0x3FB6];
	_ =	sdelay $0x3  }
0x37: {  	[smem:$0x3FB6] =	sst s10  }
0x38: {  	s10 =	sld [smem:$0x3FB7]  }
0x39: {  	_ = 	snop;
	(pc) =	sbr.ind lr, $3  }
0x3a: {  	_ = 	snop  }
0x3b: {  	_ = 	snop  }
0x3c: {  	p2 =	seq.s32 s10, $0x1;
	s10 =	sld [smem:$0x3FB6]  }
0x3d: {  	_ =	shalt  }
0x3e: {  	_ =	shalt  }
0x3f: {  	_ =	shalt  }
0x40: {  	_ =	shalt  }
0x41: {  	_ =	shalt  }
0x42: {  	_ =	shalt  }
0x43: {  	_ =	shalt  }
0x44: {  	_ =	shalt  }
0x45: {  	_ =	shalt  }
0x46: {  	_ =	shalt  }
0x47: {  	_ =	shalt  }
0x48: {  	_ =	shalt  }
0x49: {  	_ =	shalt  }
0x4a: {  	_ =	shalt  }
0x4b: {  	_ =	shalt  }
0x4c: {  	_ =	shalt  }
0x4d: {  	_ =	shalt  }
0x4e: {  	_ =	shalt  }
0x4f: {  	_ =	shalt  }
0x50: {  	_ =	shalt  }
0x51: {  	_ =	shalt  }
0x52: {  	_ =	shalt  }
0x53: {  	_ =	shalt  }
0x54: {  	_ =	shalt  }
0x55: {  	_ =	shalt  }
0x56: {  	_ =	shalt  }
0x57: {  	_ =	shalt  }
0x58: {  	_ =	shalt  }
0x59: {  	_ =	shalt  }
0x5a: {  	_ =	shalt  }
0x5b: {  	_ =	shalt  }
0x5c: {  	_ =	shalt  }
0x5d: {  	_ =	shalt  }
0x5e: {  	_ =	shalt  }
0x5f: {  	_ =	shalt  }
0x60: {  	_ =	shalt  }
0x61: {  	_ =	shalt  }
0x62: {  	_ =	shalt  }
0x63: {  	_ =	shalt  }
0x64: {  	_ =	shalt  }
0x65: {  	_ =	shalt  }
0x66: {  	_ =	shalt  }
0x67: {  	_ =	shalt  }
0x68: {  	_ =	shalt  }
0x69: {  	_ =	shalt  }
0x6a: {  	_ =	shalt  }
0x6b: {  	_ =	shalt  }
0x6c: {  	_ =	shalt  }
0x6d: {  	_ =	shalt  }
0x6e: {  	_ =	shalt  }
0x6f: {  	_ =	shalt  }
0x70: {  	_ =	shalt  }
0x71: {  	_ =	shalt  }
0x72: {  	_ =	shalt  }
0x73: {  	_ =	shalt  }
0x74: {  	_ =	shalt  }
0x75: {  	_ =	shalt  }
0x76: {  	_ =	shalt  }
0x77: {  	_ =	shalt  }
0x78: {  	_ =	shalt  }
0x79: {  	_ =	shalt  }
0x7a: {  	_ =	shalt  }
0x7b: {  	_ =	shalt  }
0x7c: {  	_ =	shalt  }
0x7d: {  	_ =	shalt  }
0x7e: {  	_ =	shalt  }
0x7f: {  	_ =	shalt  }
0x80: {  	_ =	shalt  }
0x81: {  	_ =	shalt  }
0x82: {  	_ =	shalt  }
0x83: {  	_ =	shalt  }
0x84: {  	_ =	shalt  }
0x85: {  	_ =	shalt  }
0x86: {  	_ =	shalt  }
0x87: {  	_ =	shalt  }
.Lfunc_end0:
.L_simem_size_0:
called_computation_lowered:
.L_overlay_start_0:
0x88: {  	s2 =	sld [smem:$0x3FD9]  }
0x89: {  	s3 =	sld [smem:$0x3FFE];
	_ =	sdelay $0x1  }
0x8a: {  	s1 =	srdreg.scid  }
0x8b: {  	s0 =	sand.u32 $0x1, s1  }
0x8c: {  	s17 =	sshll.u32 s0, $0xA;
	s2 =	sadd.s32 s3, s2  }
0x8d: {  	s2 =	sadd.s32 s2, s17  }
0x8e: {  	[smem:$0x3FC2] =	sst s2  }
0x8f: {  	_ = 	snop  }
0x90: {  	s2 =	sld [smem:$0x3FD0];
	(tm) =	ssettm $0x1  }
0x91: {  	s18 =	sld [smem:$0x3FFB];
	_ =	sdelay $0x3  }
0x92: {  	_ =	strace s18  }
0x93: {  	s3 =	sld [smem:$0x3FFC];
	_ =	sdelay $0x3  }
0x94: {  	_ =	strace s3  }
0x95: {  	s3 =	sld [smem:$0x3FFD];
	_ =	sdelay $0x3  }
0x96: {  	_ =	strace s3  }
0x97: {  	_ =	strace $0x8FFFFFFF  }
0x98: {  	s19 =	sld [smem:$0x3FDB];
	_ =	sdelay $0x1  }
0x99: {  	s4 =	simm.s32 $_scs_section_size  }
0x9a: {  	s5 =	simm.s32 $_size__tile_overlayer_lowered;
	s6 =	simm.s32 $_tile_overlayer_lowered  }
0x9b: {  	s22 =	simm.s32 $0x1BFF;
	s21 =	sshll.u32 s6, $0x1;
	s3 =	sadd.s32 s4, s19  }
0x9c: {  	s7 =	simm.s32 $0x0;
	s20 =	sshll.u32 s5, $0x1;
	s5 =	sadd.s32 s21, s3  }
0x9d: {  	[timem:s7], [sflag:s22] =	dma.local [hbm:s5], s20  }
0x9e: {  	_ =	swait.ge [sflag:s22], s20  }
0x9f: {  	s4 =	ssub.s32 $0x0, s20;
	[sflag:s22] =	ssyncset.done $0x0  }
0xa0: {  	[sflag:s22] =	ssyncadd.s32 s4;
	_ =	sdelay $0x1  }
0xa1: {  	s23 =	simm.s32 $0x1B8B  }
0xa2: {  	_ =	swait.ge [sflag:s23], $0x1  }
0xa3: {  	[sflag:s23] =	ssyncset.done $0x0  }
0xa4: {  	s25 =	simm.s32 $0x1B8E;
	s24 =	sld [smem:$0x3FFE];
	[sflag:s23] =	ssyncadd.s32 $0xFFFFFFFF  }
0xa5: {  	s26 =	simm.s32 $execute0_lowered;
	[smem:$0x3FD2] =	sst s25  }
0xa6: {  	s5 =	sshll.u32 s26, $0x1;
	_ =	strace $0x80000046;
	[dreg:$0x1] =	wrdreg $0xFFFFFFFF  }
0xa7: {  	s28 =	simm.s32 $_size_execute0_lowered;
	s3 =	sadd.s32 s3, s5;
	[dreg:$0x0] =	wrdreg $0x0  }
0xa8: {  	s5 =	sshll.u32 s28, $0x1;
	[dreg:$0x2] =	wrdreg s3  }
0xa9: {  	[dreg:$0x3] =	wrdreg s5  }
0xaa: {  	[dreg:$0x4] =	wrdreg $0xC0  }
0xab: {  	_ =	task [dreg:s7], $0x5FFFF  }
0xac: {  	[dreg:$0x1] =	wrdreg $0xFFFFFFFF  }
0xad: {  	[dreg:$0x0] =	wrdreg $0x60  }
0xae: {  	[dreg:$0x2] =	wrdreg s24  }
0xaf: {  	[dreg:$0x3] =	wrdreg s2  }
0xb0: {  	[dreg:$0x4] =	wrdreg $0x9  }
0xb1: {  	_ =	task.clear_ibuf [dreg:s7], $0x5FFFF;
	_ =	strace $0x90000046  }
0xb2: {  	s29 =	simm.s32 $0x9;
	_ =	strace $0x80000048  }
0xb3: {  	_ =	swait.ge [sflag:s29], $0x1  }
0xb4: {  	[sflag:s29] =	ssyncadd.s32 $0xFFFFFFFF  }
0xb5: {  	_ =	strace $0x90000048  }
0xb6: {  	_ =	sfence  }
0xb7: {  	s30 =	sld [smem:$0x0];
	_ =	sdelay $0x2  }
0xb8: {  	s31 =	sshll.u32 s1, $0xD;
	s1 =	sshrl.u32 s1, $0x2  }
0xb9: {  	s3 =	sand.u32 $0x4000, s31;
	s1 =	sadd.s32 s1, s30  }
0xba: {  	s0 =	sor.u32 s3, s0;
	s1 =	sshll.u32 s1, $0x11  }
0xbb: {  	s0 =	sor.u32 s1, s0  }
0xbc: {  	s0 =	sadd.s32 $0x8F2B, s0  }
0xbd: {  	[sflag:s0] =	ssyncadd.remote.s32 $0x1  }
0xbe: {  	_ =	sfence.sel $0xFFFF  }
0xbf: {  	[dreg:$0x0] =	wrdreg $0xFFFFFFFF;
	(pc) =	sbr.abs _section_cstart, $3  }
0xc0: {  	[dreg:$0x1] =	wrdreg $0xFFFFFFFF  }
0xc1: {  	_ =	task.clear_ibuf [dreg:s7], $0x2FFFF;
	_ =	strace $0x9FFFFFFF  }
0xc2: {  	(tm) =	ssettm $0x7FFFFFFF  }
0xc3: {  	_ =	shalt  }
tec
execute0_lowered:
.L_overlay_start_1:
0x0: {  	(tag) =	ssettag $0x1  }
0x1: {  	s0 =	srdreg.scid  }
0x2: {  	s2 =	stileid.u32;
	s1 =	rddreg [dreg:$0x0];
	s0 =	sand.u32 $0x1, s0  }
0x3: {  	s4 =	rddreg [dreg:$0x1];
	s2 =	sshll.u32 s2, $0xC;
	s3 =	sshll.u32 s0, $0xB  }
0x4: {  	s26 =	simm.s32 $0x100;
	s3 =	sor.u32 s3, s2;
	s2 =	simm.s32 $0x0  }
0x5: {  	s28 =	simm.s32 $0x200;
	s5 =	sshrl.u32 s3, $0x3;
	[smem:$0x7FF] =	sst s2  }
0x6: {  	s3 =	sshll.u32 s3, $0x3;
	s5 =	sadd.s32 s5, s1;
	_ =	strace $0x80000047  }
0x7: {  	s17 =	sadd.s32 s4, s3;
	[dreg:$0x13] =	wrdreg s26;
	s5 =	sadd.s32 $0x2C00, s5  }
0x8: {  	s9 =	simm.s32 $0x8800;
	s3 =	sadd.s32 $0x400, s17;
	[dreg:$0x3] =	wrdreg s5  }
0x9: {  	s30 =	simm.s32 $0x280;
	s10 =	sadd.s32 $0x800, s17;
	[dreg:$0x4] =	wrdreg s3  }
0xa: {  	s8 =	simm.s32 $0xA800;
	s11 =	sadd.s32 $0xC00, s17;
	[dreg:$0x5] =	wrdreg s10  }
0xb: {  	s31 =	simm.s32 $0x300;
	s12 =	sadd.s32 $0x1000, s17;
	[dreg:$0x6] =	wrdreg s11  }
0xc: {  	s7 =	simm.s32 $0x1;
	s13 =	sadd.s32 $0x1400, s17;
	[dreg:$0x7] =	wrdreg s12  }
0xd: {  	s29 =	simm.s32 $0x380;
	s14 =	sadd.s32 $0x1800, s17;
	[dreg:$0x8] =	wrdreg s13  }
0xe: {  	s6 =	simm.s32 $0x2;
	s15 =	sadd.s32 $0x1C00, s17;
	[dreg:$0x9] =	wrdreg s14  }
0xf: {  	p0 =	por $0x0, $0x0;
	s16 =	sadd.s32 $0x2000, s17;
	[dreg:$0xa] =	wrdreg s15  }
0x10: {  	s0 =	ssub.s32 $0x2, s0;
	s18 =	sadd.s32 $0x2400, s17;
	[dreg:$0xb] =	wrdreg s16  }
0x11: {  	s24 =	sshrl.u32 s0, $0x1;
	s19 =	sadd.s32 $0x2800, s17;
	[dreg:$0xc] =	wrdreg s18  }
0x12: {  	s0 =	ssub.s32 s0, s24;
	s20 =	sadd.s32 $0x2C00, s17;
	[dreg:$0xd] =	wrdreg s19  }
0x13: {  	s24 =	simm.s32 $0x400;
	s21 =	sadd.s32 $0x3000, s17;
	[dreg:$0xe] =	wrdreg s20  }
0x14: {  	s0 =	smax.u32 s0, $0x1;
	s22 =	sadd.s32 $0x3400, s17;
	[dreg:$0xf] =	wrdreg s21  }
0x15: {  	s26 =	simm.s32 $0x180;
	s23 =	sadd.s32 $0x3800, s17;
	[dreg:$0x10] =	wrdreg s22  }
0x16: {  	s4 =	simm.s32 $0xE800;
	s25 =	sadd.s32 $0x3C00, s17;
	[dreg:$0x11] =	wrdreg s23  }
0x17: {  	p1 =	sne.s32 s0, $0x1;
	s11 =	sadd.s32 $0xC00, s1;
	[dreg:$0x12] =	wrdreg s25  }
0x18: {  	s25 =	simm.s32 $0x4;
	s14 =	simm.s32 $0x80;
	s15 =	simm.s32 $0x800  }
.Ltmp0:
0x19: {  	s13 =	simm.s32 $0x2800;
	s12 =	simm.s32 $0x4800;
	(pc) =	sbr.rel @!p1 .LBB2_3-.Ltmp0, $4  }
0x1a: {  	s10 =	simm.s32 $0x6800;
	s5 =	simm.s32 $0xC800;
	s3 =	simm.s32 $0x3  }
0x1b: {  	s23 =	simm.s32 $0x480;
	s1 =	sadd.s32 $0xFFFFFFFF, s0;
	s22 =	simm.s32 $0x500  }
0x1c: {  	s21 =	simm.s32 $0x580;
	s20 =	simm.s32 $0x600;
	s19 =	simm.s32 $0x680  }
0x1d: {  	s18 =	simm.s32 $0x700;
	s16 =	simm.s32 $0x780;
	s0 =	rddreg [dreg:$0x3]  }
0x1e: {  	[tilespmem:s2], [sflag:$0x4] =	stream.linear.gather [hbm4b:s0+s2], $0x800, $0x38;
	[tilespmem:$0x10800] =	vst v63  }
0x1f: {  	_ =	swait.ge [sflag:s25], $0x800  }
0x20: {  	[sflag:s25] =	ssyncset.done $0x0  }
0x21: {  	[sflag:s25] =	ssyncadd.s32 $0xFFFFF800  }
0x22: {  	[tilespmem:s15], [sflag:$0x1] =	stream.indirect.gather [hbm4b:s11+s14], $0x40, s2, s14, $0xb8;
	[tilespmem:$0x10800] =	vst v63  }
0x23: {  	_ = 	snop  }
0x24: {  	[tilespmem:s13], [sflag:$0x2] =	stream.indirect.gather [hbm4b:s11+s14], $0x40, s14, s14, $0xb8;
	[tilespmem:$0x10800] =	vst v63  }
0x25: {  	s0 =	rddreg [dreg:$0x13]  }
0x26: {  	[tilespmem:s12], [sflag:$0x1] =	stream.indirect.gather [hbm4b:s11+s14], $0x40, s0, s14, $0xb8;
	[tilespmem:$0x10800] =	vst v63  }
0x27: {  	_ = 	snop  }
0x28: {  	[tilespmem:s10], [sflag:$0x2] =	stream.indirect.gather [hbm4b:s11+s14], $0x40, s26, s14, $0xb8;
	[tilespmem:$0x10800] =	vst v63  }
0x29: {  	_ = 	snop  }
0x2a: {  	[tilespmem:s9], [sflag:$0x1] =	stream.indirect.gather [hbm4b:s11+s14], $0x40, s28, s14, $0xb8;
	[tilespmem:$0x10800] =	vst v63  }
0x2b: {  	_ = 	snop  }
0x2c: {  	[tilespmem:s8], [sflag:$0x2] =	stream.indirect.gather [hbm4b:s11+s14], $0x40, s30, s14, $0xb8;
	[tilespmem:$0x10800] =	vst v63  }
0x2d: {  	_ = 	snop  }
0x2e: {  	[tilespmem:s5], [sflag:$0x1] =	stream.indirect.gather [hbm4b:s11+s14], $0x40, s31, s14, $0xb8;
	[tilespmem:$0x10800] =	vst v63  }
0x2f: {  	_ =	swait.ge [sflag:s7], $0x2000  }
0x30: {  	[sflag:s7] =	ssyncset.done $0x0  }
0x31: {  	[sflag:s7] =	ssyncadd.s32 $0xFFFFE000  }
0x32: {  	[hbm4b:s17+s2] =	stream.linear.scatter [tilespmem:s15], [sflag:$0x3], $0x2000, $0x38;
	[tilespmem:$0x10800] =	vst v63  }
0x33: {  	_ = 	snop  }
0x34: {  	[tilespmem:s4], [sflag:$0x2] =	stream.indirect.gather [hbm4b:s11+s14], $0x40, s29, s14, $0xb8;
	[tilespmem:$0x10800] =	vst v63  }
0x35: {  	_ =	swait.ge [sflag:s6], $0x2000  }
0x36: {  	[sflag:s6] =	ssyncset.done $0x0  }
0x37: {  	s0 =	rddreg [dreg:$0x4];
	[sflag:s6] =	ssyncadd.s32 $0xFFFFE000  }
0x38: {  	[hbm4b:s0+s2] =	stream.linear.scatter [tilespmem:s13], [sflag:$0x3], $0x2000, $0x38;
	[tilespmem:$0x10800] =	vst v63  }
0x39: {  	_ =	swait.ge [sflag:s3], $0x2000  }
0x3a: {  	[sflag:s3] =	ssyncset.done $0x0  }
0x3b: {  	[sflag:s3] =	ssyncadd.s32 $0xFFFFE000  }
0x3c: {  	[tilespmem:s15], [sflag:$0x1] =	stream.indirect.gather [hbm4b:s11+s14], $0x40, s24, s14, $0xb8;
	[tilespmem:$0x10800] =	vst v63  }
0x3d: {  	_ =	swait.ge [sflag:s7], $0x2000  }
0x3e: {  	[sflag:s7] =	ssyncset.done $0x0  }
0x3f: {  	s0 =	rddreg [dreg:$0x5];
	[sflag:s7] =	ssyncadd.s32 $0xFFFFE000  }
0x40: {  	[hbm4b:s0+s2] =	stream.linear.scatter [tilespmem:s12], [sflag:$0x3], $0x2000, $0x38;
	[tilespmem:$0x10800] =	vst v63  }
0x41: {  	_ =	swait.ge [sflag:s3], $0x2000  }
0x42: {  	[sflag:s3] =	ssyncset.done $0x0  }
0x43: {  	[sflag:s3] =	ssyncadd.s32 $0xFFFFE000  }
0x44: {  	[tilespmem:s13], [sflag:$0x2] =	stream.indirect.gather [hbm4b:s11+s14], $0x40, s23, s14, $0xb8;
	[tilespmem:$0x10800] =	vst v63  }
0x45: {  	_ =	swait.ge [sflag:s6], $0x2000  }
0x46: {  	[sflag:s6] =	ssyncset.done $0x0  }
0x47: {  	s0 =	rddreg [dreg:$0x6];
	[sflag:s6] =	ssyncadd.s32 $0xFFFFE000  }
0x48: {  	[hbm4b:s0+s2] =	stream.linear.scatter [tilespmem:s10], [sflag:$0x3], $0x2000, $0x38;
	[tilespmem:$0x10800] =	vst v63  }
0x49: {  	_ =	swait.ge [sflag:s3], $0x2000  }
0x4a: {  	[sflag:s3] =	ssyncset.done $0x0  }
0x4b: {  	[sflag:s3] =	ssyncadd.s32 $0xFFFFE000  }
0x4c: {  	[tilespmem:s12], [sflag:$0x1] =	stream.indirect.gather [hbm4b:s11+s14], $0x40, s22, s14, $0xb8;
	[tilespmem:$0x10800] =	vst v63  }
0x4d: {  	_ =	swait.ge [sflag:s7], $0x2000  }
0x4e: {  	[sflag:s7] =	ssyncset.done $0x0  }
0x4f: {  	s0 =	rddreg [dreg:$0x7];
	[sflag:s7] =	ssyncadd.s32 $0xFFFFE000  }
0x50: {  	[hbm4b:s0+s2] =	stream.linear.scatter [tilespmem:s9], [sflag:$0x3], $0x2000, $0x38;
	[tilespmem:$0x10800] =	vst v63  }
0x51: {  	_ =	swait.ge [sflag:s3], $0x2000  }
0x52: {  	[sflag:s3] =	ssyncset.done $0x0  }
0x53: {  	[sflag:s3] =	ssyncadd.s32 $0xFFFFE000  }
0x54: {  	[tilespmem:s10], [sflag:$0x2] =	stream.indirect.gather [hbm4b:s11+s14], $0x40, s21, s14, $0xb8;
	[tilespmem:$0x10800] =	vst v63  }
0x55: {  	_ =	swait.ge [sflag:s6], $0x2000  }
0x56: {  	[sflag:s6] =	ssyncset.done $0x0  }
0x57: {  	s0 =	rddreg [dreg:$0x8];
	[sflag:s6] =	ssyncadd.s32 $0xFFFFE000  }
0x58: {  	[hbm4b:s0+s2] =	stream.linear.scatter [tilespmem:s8], [sflag:$0x3], $0x2000, $0x38;
	[tilespmem:$0x10800] =	vst v63  }
0x59: {  	_ =	swait.ge [sflag:s3], $0x2000  }
0x5a: {  	[sflag:s3] =	ssyncset.done $0x0  }
0x5b: {  	[sflag:s3] =	ssyncadd.s32 $0xFFFFE000  }
0x5c: {  	[tilespmem:s9], [sflag:$0x1] =	stream.indirect.gather [hbm4b:s11+s14], $0x40, s20, s14, $0xb8;
	[tilespmem:$0x10800] =	vst v63  }
0x5d: {  	_ =	swait.ge [sflag:s7], $0x2000  }
0x5e: {  	[sflag:s7] =	ssyncset.done $0x0  }
0x5f: {  	s0 =	rddreg [dreg:$0x9];
	[sflag:s7] =	ssyncadd.s32 $0xFFFFE000  }
0x60: {  	[hbm4b:s0+s2] =	stream.linear.scatter [tilespmem:s5], [sflag:$0x3], $0x2000, $0x38;
	[tilespmem:$0x10800] =	vst v63  }
0x61: {  	_ =	swait.ge [sflag:s3], $0x2000  }
0x62: {  	[sflag:s3] =	ssyncset.done $0x0  }
0x63: {  	[sflag:s3] =	ssyncadd.s32 $0xFFFFE000  }
0x64: {  	[tilespmem:s8], [sflag:$0x2] =	stream.indirect.gather [hbm4b:s11+s14], $0x40, s19, s14, $0xb8;
	[tilespmem:$0x10800] =	vst v63  }
0x65: {  	_ =	swait.ge [sflag:s6], $0x2000  }
0x66: {  	[sflag:s6] =	ssyncset.done $0x0  }
0x67: {  	s0 =	rddreg [dreg:$0xa];
	[sflag:s6] =	ssyncadd.s32 $0xFFFFE000  }
0x68: {  	[hbm4b:s0+s2] =	stream.linear.scatter [tilespmem:s4], [sflag:$0x3], $0x2000, $0x38;
	[tilespmem:$0x10800] =	vst v63  }
0x69: {  	_ =	swait.ge [sflag:s3], $0x2000  }
0x6a: {  	[sflag:s3] =	ssyncset.done $0x0  }
0x6b: {  	[sflag:s3] =	ssyncadd.s32 $0xFFFFE000  }
0x6c: {  	[tilespmem:s5], [sflag:$0x1] =	stream.indirect.gather [hbm4b:s11+s14], $0x40, s18, s14, $0xb8;
	[tilespmem:$0x10800] =	vst v63  }
0x6d: {  	_ =	swait.ge [sflag:s7], $0x2000  }
0x6e: {  	[sflag:s7] =	ssyncset.done $0x0  }
0x6f: {  	s0 =	rddreg [dreg:$0xb];
	[sflag:s7] =	ssyncadd.s32 $0xFFFFE000  }
0x70: {  	[hbm4b:s0+s2] =	stream.linear.scatter [tilespmem:s15], [sflag:$0x3], $0x2000, $0x38;
	[tilespmem:$0x10800] =	vst v63  }
0x71: {  	_ =	swait.ge [sflag:s3], $0x2000  }
0x72: {  	[sflag:s3] =	ssyncset.done $0x0  }
0x73: {  	[sflag:s3] =	ssyncadd.s32 $0xFFFFE000  }
0x74: {  	[tilespmem:s4], [sflag:$0x2] =	stream.indirect.gather [hbm4b:s11+s14], $0x40, s16, s14, $0xb8;
	[tilespmem:$0x10800] =	vst v63  }
0x75: {  	_ =	swait.ge [sflag:s6], $0x2000  }
0x76: {  	[sflag:s6] =	ssyncset.done $0x0  }
0x77: {  	s0 =	rddreg [dreg:$0xc];
	[sflag:s6] =	ssyncadd.s32 $0xFFFFE000  }
0x78: {  	[hbm4b:s0+s2] =	stream.linear.scatter [tilespmem:s13], [sflag:$0x3], $0x2000, $0x38;
	[tilespmem:$0x10800] =	vst v63  }
0x79: {  	_ =	swait.ge [sflag:s7], $0x2000  }
0x7a: {  	[sflag:s7] =	ssyncset.done $0x0  }
0x7b: {  	s0 =	rddreg [dreg:$0xd];
	[sflag:s7] =	ssyncadd.s32 $0xFFFFE000  }
0x7c: {  	[hbm4b:s0+s2] =	stream.linear.scatter [tilespmem:s12], [sflag:$0x3], $0x2000, $0x38;
	[tilespmem:$0x10800] =	vst v63  }
0x7d: {  	_ =	swait.ge [sflag:s6], $0x2000  }
0x7e: {  	[sflag:s6] =	ssyncset.done $0x0  }
0x7f: {  	s0 =	rddreg [dreg:$0xe];
	[sflag:s6] =	ssyncadd.s32 $0xFFFFE000  }
0x80: {  	[hbm4b:s0+s2] =	stream.linear.scatter [tilespmem:s10], [sflag:$0x3], $0x2000, $0x38;
	[tilespmem:$0x10800] =	vst v63  }
0x81: {  	_ =	swait.ge [sflag:s7], $0x2000  }
0x82: {  	[sflag:s7] =	ssyncset.done $0x0  }
0x83: {  	s0 =	rddreg [dreg:$0xf];
	[sflag:s7] =	ssyncadd.s32 $0xFFFFE000  }
0x84: {  	[hbm4b:s0+s2] =	stream.linear.scatter [tilespmem:s9], [sflag:$0x3], $0x2000, $0x38;
	[tilespmem:$0x10800] =	vst v63  }
0x85: {  	_ =	swait.ge [sflag:s6], $0x2000  }
0x86: {  	[sflag:s6] =	ssyncset.done $0x0  }
0x87: {  	s0 =	rddreg [dreg:$0x10];
	[sflag:s6] =	ssyncadd.s32 $0xFFFFE000  }
0x88: {  	[hbm4b:s0+s2] =	stream.linear.scatter [tilespmem:s8], [sflag:$0x3], $0x2000, $0x38;
	[tilespmem:$0x10800] =	vst v63  }
0x89: {  	_ =	swait.ge [sflag:s7], $0x2000  }
0x8a: {  	[sflag:s7] =	ssyncset.done $0x0  }
0x8b: {  	s0 =	rddreg [dreg:$0x11];
	[sflag:s7] =	ssyncadd.s32 $0xFFFFE000  }
0x8c: {  	[hbm4b:s0+s2] =	stream.linear.scatter [tilespmem:s5], [sflag:$0x3], $0x2000, $0x38;
	[tilespmem:$0x10800] =	vst v63  }
0x8d: {  	_ =	swait.ge [sflag:s6], $0x2000  }
0x8e: {  	[sflag:s6] =	ssyncset.done $0x0  }
0x8f: {  	s0 =	rddreg [dreg:$0x12];
	[sflag:s6] =	ssyncadd.s32 $0xFFFFE000  }
0x90: {  	[hbm4b:s0+s2] =	stream.linear.scatter [tilespmem:s4], [sflag:$0x3], $0x2000, $0x38;
	[tilespmem:$0x10800] =	vst v63  }
0x91: {  	_ =	swait.ge [sflag:s3], $0x2000  }
0x92: {  	[sflag:s3] =	ssyncset.done $0x0  }
0x93: {  	[sflag:s3] =	ssyncadd.s32 $0xFFFFE000  }
0x94: {  	_ =	swait.ge [sflag:s3], $0x2000  }
0x95: {  	[sflag:s3] =	ssyncset.done $0x0  }
0x96: {  	[sflag:s3] =	ssyncadd.s32 $0xFFFFE000  }
0x97: {  	_ =	swait.ge [sflag:s3], $0x2000  }
0x98: {  	[sflag:s3] =	ssyncset.done $0x0  }
0x99: {  	[sflag:s3] =	ssyncadd.s32 $0xFFFFE000  }
0x9a: {  	_ =	swait.ge [sflag:s3], $0x2000  }
0x9b: {  	[sflag:s3] =	ssyncset.done $0x0  }
0x9c: {  	[sflag:s3] =	ssyncadd.s32 $0xFFFFE000  }
0x9d: {  	_ =	swait.ge [sflag:s3], $0x2000  }
0x9e: {  	[sflag:s3] =	ssyncset.done $0x0  }
0x9f: {  	[sflag:s3] =	ssyncadd.s32 $0xFFFFE000  }
0xa0: {  	_ =	swait.ge [sflag:s3], $0x2000  }
0xa1: {  	[sflag:s3] =	ssyncset.done $0x0  }
0xa2: {  	p1 =	sne.s32 s1, $0x1;
	[sflag:s3] =	ssyncadd.s32 $0xFFFFE000  }
.Ltmp1:
0xa3: {  	_ =	swait.ge [sflag:s3], $0x2000;
	(pc) =	sbr.rel @!p1 .LBB2_3-.Ltmp1, $4  }
0xa4: {  	[sflag:s3] =	ssyncset.done $0x0  }
0xa5: {  	[sflag:s3] =	ssyncadd.s32 $0xFFFFE000  }
0xa6: {  	s1 =	sadd.s32 $0xFFFFFFFF, s1;
	_ =	swait.ge [sflag:s3], $0x2000  }
0xa7: {  	p0 =	por $0x1, $0x1;
	s0 =	rddreg [dreg:$0x3];
	[sflag:s3] =	ssyncset.done $0x0  }
.LBB2_2:
0xa8: {  	[sflag:s3] =	ssyncadd.s32 $0xFFFFE000  }
0xa9: {  	[tilespmem:s2], [sflag:$0x4] =	stream.linear.gather [hbm4b:s0+s2], $0x800, $0x38;
	[tilespmem:$0x10800] =	vst v63  }
0xaa: {  	_ =	swait.ge [sflag:s25], $0x800  }
0xab: {  	[sflag:s25] =	ssyncset.done $0x0  }
0xac: {  	[sflag:s25] =	ssyncadd.s32 $0xFFFFF800  }
0xad: {  	[tilespmem:s15], [sflag:$0x1] =	stream.indirect.gather [hbm4b:s11+s14], $0x40, s2, s14, $0xb8;
	[tilespmem:$0x10800] =	vst v63  }
0xae: {  	_ = 	snop  }
0xaf: {  	[tilespmem:s13], [sflag:$0x2] =	stream.indirect.gather [hbm4b:s11+s14], $0x40, s14, s14, $0xb8;
	[tilespmem:$0x10800] =	vst v63  }
0xb0: {  	s0 =	rddreg [dreg:$0x13]  }
0xb1: {  	[tilespmem:s12], [sflag:$0x1] =	stream.indirect.gather [hbm4b:s11+s14], $0x40, s0, s14, $0xb8;
	[tilespmem:$0x10800] =	vst v63  }
0xb2: {  	_ = 	snop  }
0xb3: {  	[tilespmem:s10], [sflag:$0x2] =	stream.indirect.gather [hbm4b:s11+s14], $0x40, s26, s14, $0xb8;
	[tilespmem:$0x10800] =	vst v63  }
0xb4: {  	_ = 	snop  }
0xb5: {  	[tilespmem:s9], [sflag:$0x1] =	stream.indirect.gather [hbm4b:s11+s14], $0x40, s28, s14, $0xb8;
	[tilespmem:$0x10800] =	vst v63  }
0xb6: {  	_ = 	snop  }
0xb7: {  	[tilespmem:s8], [sflag:$0x2] =	stream.indirect.gather [hbm4b:s11+s14], $0x40, s30, s14, $0xb8;
	[tilespmem:$0x10800] =	vst v63  }
0xb8: {  	_ = 	snop  }
0xb9: {  	[tilespmem:s5], [sflag:$0x1] =	stream.indirect.gather [hbm4b:s11+s14], $0x40, s31, s14, $0xb8;
	[tilespmem:$0x10800] =	vst v63  }
0xba: {  	_ =	swait.ge [sflag:s7], $0x2000  }
0xbb: {  	[sflag:s7] =	ssyncset.done $0x0  }
0xbc: {  	[sflag:s7] =	ssyncadd.s32 $0xFFFFE000  }
0xbd: {  	[hbm4b:s17+s2] =	stream.linear.scatter [tilespmem:s15], [sflag:$0x3], $0x2000, $0x38;
	[tilespmem:$0x10800] =	vst v63  }
0xbe: {  	_ = 	snop  }
0xbf: {  	[tilespmem:s4], [sflag:$0x2] =	stream.indirect.gather [hbm4b:s11+s14], $0x40, s29, s14, $0xb8;
	[tilespmem:$0x10800] =	vst v63  }
0xc0: {  	_ =	swait.ge [sflag:s6], $0x2000  }
0xc1: {  	[sflag:s6] =	ssyncset.done $0x0  }
0xc2: {  	s0 =	rddreg [dreg:$0x4];
	[sflag:s6] =	ssyncadd.s32 $0xFFFFE000  }
0xc3: {  	[hbm4b:s0+s2] =	stream.linear.scatter [tilespmem:s13], [sflag:$0x3], $0x2000, $0x38;
	[tilespmem:$0x10800] =	vst v63  }
0xc4: {  	_ =	swait.ge [sflag:s3], $0x2000  }
0xc5: {  	[sflag:s3] =	ssyncset.done $0x0  }
0xc6: {  	[sflag:s3] =	ssyncadd.s32 $0xFFFFE000  }
0xc7: {  	[tilespmem:s15], [sflag:$0x1] =	stream.indirect.gather [hbm4b:s11+s14], $0x40, s24, s14, $0xb8;
	[tilespmem:$0x10800] =	vst v63  }
0xc8: {  	_ =	swait.ge [sflag:s7], $0x2000  }
0xc9: {  	[sflag:s7] =	ssyncset.done $0x0  }
0xca: {  	s0 =	rddreg [dreg:$0x5];
	[sflag:s7] =	ssyncadd.s32 $0xFFFFE000  }
0xcb: {  	[hbm4b:s0+s2] =	stream.linear.scatter [tilespmem:s12], [sflag:$0x3], $0x2000, $0x38;
	[tilespmem:$0x10800] =	vst v63  }
0xcc: {  	_ =	swait.ge [sflag:s3], $0x2000  }
0xcd: {  	[sflag:s3] =	ssyncset.done $0x0  }
0xce: {  	[sflag:s3] =	ssyncadd.s32 $0xFFFFE000  }
0xcf: {  	[tilespmem:s13], [sflag:$0x2] =	stream.indirect.gather [hbm4b:s11+s14], $0x40, s23, s14, $0xb8;
	[tilespmem:$0x10800] =	vst v63  }
0xd0: {  	_ =	swait.ge [sflag:s6], $0x2000  }
0xd1: {  	[sflag:s6] =	ssyncset.done $0x0  }
0xd2: {  	s0 =	rddreg [dreg:$0x6];
	[sflag:s6] =	ssyncadd.s32 $0xFFFFE000  }
0xd3: {  	[hbm4b:s0+s2] =	stream.linear.scatter [tilespmem:s10], [sflag:$0x3], $0x2000, $0x38;
	[tilespmem:$0x10800] =	vst v63  }
0xd4: {  	_ =	swait.ge [sflag:s3], $0x2000  }
0xd5: {  	[sflag:s3] =	ssyncset.done $0x0  }
0xd6: {  	[sflag:s3] =	ssyncadd.s32 $0xFFFFE000  }
0xd7: {  	[tilespmem:s12], [sflag:$0x1] =	stream.indirect.gather [hbm4b:s11+s14], $0x40, s22, s14, $0xb8;
	[tilespmem:$0x10800] =	vst v63  }
0xd8: {  	_ =	swait.ge [sflag:s7], $0x2000  }
0xd9: {  	[sflag:s7] =	ssyncset.done $0x0  }
0xda: {  	s0 =	rddreg [dreg:$0x7];
	[sflag:s7] =	ssyncadd.s32 $0xFFFFE000  }
0xdb: {  	[hbm4b:s0+s2] =	stream.linear.scatter [tilespmem:s9], [sflag:$0x3], $0x2000, $0x38;
	[tilespmem:$0x10800] =	vst v63  }
0xdc: {  	_ =	swait.ge [sflag:s3], $0x2000  }
0xdd: {  	[sflag:s3] =	ssyncset.done $0x0  }
0xde: {  	[sflag:s3] =	ssyncadd.s32 $0xFFFFE000  }
0xdf: {  	[tilespmem:s10], [sflag:$0x2] =	stream.indirect.gather [hbm4b:s11+s14], $0x40, s21, s14, $0xb8;
	[tilespmem:$0x10800] =	vst v63  }
0xe0: {  	_ =	swait.ge [sflag:s6], $0x2000  }
0xe1: {  	[sflag:s6] =	ssyncset.done $0x0  }
0xe2: {  	s0 =	rddreg [dreg:$0x8];
	[sflag:s6] =	ssyncadd.s32 $0xFFFFE000  }
0xe3: {  	[hbm4b:s0+s2] =	stream.linear.scatter [tilespmem:s8], [sflag:$0x3], $0x2000, $0x38;
	[tilespmem:$0x10800] =	vst v63  }
0xe4: {  	_ =	swait.ge [sflag:s3], $0x2000  }
0xe5: {  	[sflag:s3] =	ssyncset.done $0x0  }
0xe6: {  	[sflag:s3] =	ssyncadd.s32 $0xFFFFE000  }
0xe7: {  	[tilespmem:s9], [sflag:$0x1] =	stream.indirect.gather [hbm4b:s11+s14], $0x40, s20, s14, $0xb8;
	[tilespmem:$0x10800] =	vst v63  }
0xe8: {  	_ =	swait.ge [sflag:s7], $0x2000  }
0xe9: {  	[sflag:s7] =	ssyncset.done $0x0  }
0xea: {  	s0 =	rddreg [dreg:$0x9];
	[sflag:s7] =	ssyncadd.s32 $0xFFFFE000  }
0xeb: {  	[hbm4b:s0+s2] =	stream.linear.scatter [tilespmem:s5], [sflag:$0x3], $0x2000, $0x38;
	[tilespmem:$0x10800] =	vst v63  }
0xec: {  	_ =	swait.ge [sflag:s3], $0x2000  }
0xed: {  	[sflag:s3] =	ssyncset.done $0x0  }
0xee: {  	[sflag:s3] =	ssyncadd.s32 $0xFFFFE000  }
0xef: {  	[tilespmem:s8], [sflag:$0x2] =	stream.indirect.gather [hbm4b:s11+s14], $0x40, s19, s14, $0xb8;
	[tilespmem:$0x10800] =	vst v63  }
0xf0: {  	_ =	swait.ge [sflag:s6], $0x2000  }
0xf1: {  	[sflag:s6] =	ssyncset.done $0x0  }
0xf2: {  	s0 =	rddreg [dreg:$0xa];
	[sflag:s6] =	ssyncadd.s32 $0xFFFFE000  }
0xf3: {  	[hbm4b:s0+s2] =	stream.linear.scatter [tilespmem:s4], [sflag:$0x3], $0x2000, $0x38;
	[tilespmem:$0x10800] =	vst v63  }
0xf4: {  	_ =	swait.ge [sflag:s3], $0x2000  }
0xf5: {  	[sflag:s3] =	ssyncset.done $0x0  }
0xf6: {  	[sflag:s3] =	ssyncadd.s32 $0xFFFFE000  }
0xf7: {  	[tilespmem:s5], [sflag:$0x1] =	stream.indirect.gather [hbm4b:s11+s14], $0x40, s18, s14, $0xb8;
	[tilespmem:$0x10800] =	vst v63  }
0xf8: {  	_ =	swait.ge [sflag:s7], $0x2000  }
0xf9: {  	[sflag:s7] =	ssyncset.done $0x0  }
0xfa: {  	s0 =	rddreg [dreg:$0xb];
	[sflag:s7] =	ssyncadd.s32 $0xFFFFE000  }
0xfb: {  	[hbm4b:s0+s2] =	stream.linear.scatter [tilespmem:s15], [sflag:$0x3], $0x2000, $0x38;
	[tilespmem:$0x10800] =	vst v63  }
0xfc: {  	_ =	swait.ge [sflag:s3], $0x2000  }
0xfd: {  	[sflag:s3] =	ssyncset.done $0x0  }
0xfe: {  	[sflag:s3] =	ssyncadd.s32 $0xFFFFE000  }
0xff: {  	[tilespmem:s4], [sflag:$0x2] =	stream.indirect.gather [hbm4b:s11+s14], $0x40, s16, s14, $0xb8;
	[tilespmem:$0x10800] =	vst v63  }
0x100: {  	_ =	swait.ge [sflag:s6], $0x2000  }
0x101: {  	[sflag:s6] =	ssyncset.done $0x0  }
0x102: {  	s0 =	rddreg [dreg:$0xc];
	[sflag:s6] =	ssyncadd.s32 $0xFFFFE000  }
0x103: {  	[hbm4b:s0+s2] =	stream.linear.scatter [tilespmem:s13], [sflag:$0x3], $0x2000, $0x38;
	[tilespmem:$0x10800] =	vst v63  }
0x104: {  	_ =	swait.ge [sflag:s7], $0x2000  }
0x105: {  	[sflag:s7] =	ssyncset.done $0x0  }
0x106: {  	s0 =	rddreg [dreg:$0xd];
	[sflag:s7] =	ssyncadd.s32 $0xFFFFE000  }
0x107: {  	[hbm4b:s0+s2] =	stream.linear.scatter [tilespmem:s12], [sflag:$0x3], $0x2000, $0x38;
	[tilespmem:$0x10800] =	vst v63  }
0x108: {  	_ =	swait.ge [sflag:s6], $0x2000  }
0x109: {  	[sflag:s6] =	ssyncset.done $0x0  }
0x10a: {  	s0 =	rddreg [dreg:$0xe];
	[sflag:s6] =	ssyncadd.s32 $0xFFFFE000  }
0x10b: {  	[hbm4b:s0+s2] =	stream.linear.scatter [tilespmem:s10], [sflag:$0x3], $0x2000, $0x38;
	[tilespmem:$0x10800] =	vst v63  }
0x10c: {  	_ =	swait.ge [sflag:s7], $0x2000  }
0x10d: {  	[sflag:s7] =	ssyncset.done $0x0  }
0x10e: {  	s0 =	rddreg [dreg:$0xf];
	[sflag:s7] =	ssyncadd.s32 $0xFFFFE000  }
0x10f: {  	[hbm4b:s0+s2] =	stream.linear.scatter [tilespmem:s9], [sflag:$0x3], $0x2000, $0x38;
	[tilespmem:$0x10800] =	vst v63  }
0x110: {  	_ =	swait.ge [sflag:s6], $0x2000  }
0x111: {  	[sflag:s6] =	ssyncset.done $0x0  }
0x112: {  	s0 =	rddreg [dreg:$0x10];
	[sflag:s6] =	ssyncadd.s32 $0xFFFFE000  }
0x113: {  	[hbm4b:s0+s2] =	stream.linear.scatter [tilespmem:s8], [sflag:$0x3], $0x2000, $0x38;
	[tilespmem:$0x10800] =	vst v63  }
0x114: {  	_ =	swait.ge [sflag:s7], $0x2000  }
0x115: {  	[sflag:s7] =	ssyncset.done $0x0  }
0x116: {  	s0 =	rddreg [dreg:$0x11];
	[sflag:s7] =	ssyncadd.s32 $0xFFFFE000  }
0x117: {  	[hbm4b:s0+s2] =	stream.linear.scatter [tilespmem:s5], [sflag:$0x3], $0x2000, $0x38;
	[tilespmem:$0x10800] =	vst v63  }
0x118: {  	_ =	swait.ge [sflag:s6], $0x2000  }
0x119: {  	[sflag:s6] =	ssyncset.done $0x0  }
0x11a: {  	s0 =	rddreg [dreg:$0x12];
	[sflag:s6] =	ssyncadd.s32 $0xFFFFE000  }
0x11b: {  	[hbm4b:s0+s2] =	stream.linear.scatter [tilespmem:s4], [sflag:$0x3], $0x2000, $0x38;
	[tilespmem:$0x10800] =	vst v63  }
0x11c: {  	_ =	swait.ge [sflag:s3], $0x2000  }
0x11d: {  	[sflag:s3] =	ssyncset.done $0x0  }
0x11e: {  	[sflag:s3] =	ssyncadd.s32 $0xFFFFE000  }
0x11f: {  	_ =	swait.ge [sflag:s3], $0x2000  }
0x120: {  	[sflag:s3] =	ssyncset.done $0x0  }
0x121: {  	[sflag:s3] =	ssyncadd.s32 $0xFFFFE000  }
0x122: {  	_ =	swait.ge [sflag:s3], $0x2000  }
0x123: {  	[sflag:s3] =	ssyncset.done $0x0  }
0x124: {  	[sflag:s3] =	ssyncadd.s32 $0xFFFFE000  }
0x125: {  	_ =	swait.ge [sflag:s3], $0x2000  }
0x126: {  	[sflag:s3] =	ssyncset.done $0x0  }
0x127: {  	[sflag:s3] =	ssyncadd.s32 $0xFFFFE000  }
0x128: {  	_ =	swait.ge [sflag:s3], $0x2000  }
0x129: {  	[sflag:s3] =	ssyncset.done $0x0  }
0x12a: {  	[sflag:s3] =	ssyncadd.s32 $0xFFFFE000  }
0x12b: {  	_ =	swait.ge [sflag:s3], $0x2000  }
0x12c: {  	[sflag:s3] =	ssyncset.done $0x0  }
0x12d: {  	p1 =	sne.s32 s1, $0x1;
	[sflag:s3] =	ssyncadd.s32 $0xFFFFE000  }
.Ltmp2:
0x12e: {  	_ =	swait.ge [sflag:s3], $0x2000;
	(pc) =	sbr.rel @p1 .LBB2_2-.Ltmp2, $4  }
0x12f: {  	[sflag:s3] =	ssyncset.done $0x0  }
0x130: {  	[sflag:s3] =	ssyncadd.s32 $0xFFFFE000  }
0x131: {  	_ =	swait.ge [sflag:s3], $0x2000  }
0x132: {  	s1 =	sadd.s32 $0xFFFFFFFF, s1;
	s0 =	rddreg [dreg:$0x3];
	[sflag:s3] =	ssyncset.done $0x0  }
.LBB2_3:
0x133: {  	[sflag:s3] =	ssyncadd.s32 @p0 $0xFFFFE000  }
0x134: {  	[tilespmem:s2], [sflag:$0x4] =	stream.linear.gather [hbm4b:s0+s2], $0x800, $0x38;
	[tilespmem:$0x10800] =	vst v63  }
0x135: {  	_ =	swait.ge [sflag:s25], $0x800  }
0x136: {  	[sflag:s25] =	ssyncset.done $0x0  }
0x137: {  	[sflag:s25] =	ssyncadd.s32 $0xFFFFF800  }
0x138: {  	[tilespmem:s15], [sflag:$0x1] =	stream.indirect.gather [hbm4b:s11+s14], $0x40, s2, s14, $0xb8;
	[tilespmem:$0x10800] =	vst v63  }
0x139: {  	_ = 	snop  }
0x13a: {  	[tilespmem:s13], [sflag:$0x2] =	stream.indirect.gather [hbm4b:s11+s14], $0x40, s14, s14, $0xb8;
	[tilespmem:$0x10800] =	vst v63  }
0x13b: {  	s25 =	rddreg [dreg:$0x13]  }
0x13c: {  	[tilespmem:s12], [sflag:$0x1] =	stream.indirect.gather [hbm4b:s11+s14], $0x40, s25, s14, $0xb8;
	[tilespmem:$0x10800] =	vst v63  }
0x13d: {  	_ = 	snop  }
0x13e: {  	[tilespmem:s10], [sflag:$0x2] =	stream.indirect.gather [hbm4b:s11+s14], $0x40, s26, s14, $0xb8;
	[tilespmem:$0x10800] =	vst v63  }
0x13f: {  	_ = 	snop  }
0x140: {  	[tilespmem:s9], [sflag:$0x1] =	stream.indirect.gather [hbm4b:s11+s14], $0x40, s28, s14, $0xb8;
	[tilespmem:$0x10800] =	vst v63  }
0x141: {  	_ = 	snop  }
0x142: {  	[tilespmem:s8], [sflag:$0x2] =	stream.indirect.gather [hbm4b:s11+s14], $0x40, s30, s14, $0xb8;
	[tilespmem:$0x10800] =	vst v63  }
0x143: {  	_ = 	snop  }
0x144: {  	[tilespmem:s5], [sflag:$0x1] =	stream.indirect.gather [hbm4b:s11+s14], $0x40, s31, s14, $0xb8;
	[tilespmem:$0x10800] =	vst v63  }
0x145: {  	_ =	swait.ge [sflag:s7], $0x2000  }
0x146: {  	[sflag:s7] =	ssyncset.done $0x0  }
0x147: {  	[sflag:s7] =	ssyncadd.s32 $0xFFFFE000  }
0x148: {  	[hbm4b:s17+s2] =	stream.linear.scatter [tilespmem:s15], [sflag:$0x3], $0x2000, $0x38;
	[tilespmem:$0x10800] =	vst v63  }
0x149: {  	_ = 	snop  }
0x14a: {  	[tilespmem:s4], [sflag:$0x2] =	stream.indirect.gather [hbm4b:s11+s14], $0x40, s29, s14, $0xb8;
	[tilespmem:$0x10800] =	vst v63  }
0x14b: {  	_ =	swait.ge [sflag:s6], $0x2000  }
0x14c: {  	[sflag:s6] =	ssyncset.done $0x0  }
0x14d: {  	s29 =	rddreg [dreg:$0x4];
	[sflag:s6] =	ssyncadd.s32 $0xFFFFE000  }
0x14e: {  	[hbm4b:s29+s2] =	stream.linear.scatter [tilespmem:s13], [sflag:$0x3], $0x2000, $0x38;
	[tilespmem:$0x10800] =	vst v63  }
0x14f: {  	_ =	swait.ge [sflag:s3], $0x2000  }
0x150: {  	[sflag:s3] =	ssyncset.done $0x0  }
0x151: {  	[sflag:s3] =	ssyncadd.s32 $0xFFFFE000  }
0x152: {  	[tilespmem:s15], [sflag:$0x1] =	stream.indirect.gather [hbm4b:s11+s14], $0x40, s24, s14, $0xb8;
	[tilespmem:$0x10800] =	vst v63  }
0x153: {  	_ =	swait.ge [sflag:s7], $0x2000  }
0x154: {  	[sflag:s7] =	ssyncset.done $0x0  }
0x155: {  	s30 =	rddreg [dreg:$0x5];
	[sflag:s7] =	ssyncadd.s32 $0xFFFFE000  }
0x156: {  	[hbm4b:s30+s2] =	stream.linear.scatter [tilespmem:s12], [sflag:$0x3], $0x2000, $0x38;
	[tilespmem:$0x10800] =	vst v63  }
0x157: {  	_ =	swait.ge [sflag:s3], $0x2000  }
0x158: {  	[sflag:s3] =	ssyncset.done $0x0  }
0x159: {  	[sflag:s3] =	ssyncadd.s32 $0xFFFFE000  }
0x15a: {  	[tilespmem:s13], [sflag:$0x2] =	stream.indirect.gather [hbm4b:s11+s14], $0x40, s23, s14, $0xb8;
	[tilespmem:$0x10800] =	vst v63  }
0x15b: {  	_ =	swait.ge [sflag:s6], $0x2000  }
0x15c: {  	[sflag:s6] =	ssyncset.done $0x0  }
0x15d: {  	s31 =	rddreg [dreg:$0x6];
	[sflag:s6] =	ssyncadd.s32 $0xFFFFE000  }
0x15e: {  	[hbm4b:s31+s2] =	stream.linear.scatter [tilespmem:s10], [sflag:$0x3], $0x2000, $0x38;
	[tilespmem:$0x10800] =	vst v63  }
0x15f: {  	_ =	swait.ge [sflag:s3], $0x2000  }
0x160: {  	[sflag:s3] =	ssyncset.done $0x0  }
0x161: {  	[sflag:s3] =	ssyncadd.s32 $0xFFFFE000  }
0x162: {  	[tilespmem:s12], [sflag:$0x1] =	stream.indirect.gather [hbm4b:s11+s14], $0x40, s22, s14, $0xb8;
	[tilespmem:$0x10800] =	vst v63  }
0x163: {  	_ =	swait.ge [sflag:s7], $0x2000  }
0x164: {  	[sflag:s7] =	ssyncset.done $0x0  }
0x165: {  	s1 =	rddreg [dreg:$0x7];
	[sflag:s7] =	ssyncadd.s32 $0xFFFFE000  }
0x166: {  	[hbm4b:s1+s2] =	stream.linear.scatter [tilespmem:s9], [sflag:$0x3], $0x2000, $0x38;
	[tilespmem:$0x10800] =	vst v63  }
0x167: {  	_ =	swait.ge [sflag:s3], $0x2000  }
0x168: {  	[sflag:s3] =	ssyncset.done $0x0  }
0x169: {  	[sflag:s3] =	ssyncadd.s32 $0xFFFFE000  }
0x16a: {  	[tilespmem:s10], [sflag:$0x2] =	stream.indirect.gather [hbm4b:s11+s14], $0x40, s21, s14, $0xb8;
	[tilespmem:$0x10800] =	vst v63  }
0x16b: {  	_ =	swait.ge [sflag:s6], $0x2000  }
0x16c: {  	[sflag:s6] =	ssyncset.done $0x0  }
0x16d: {  	s17 =	rddreg [dreg:$0x8];
	[sflag:s6] =	ssyncadd.s32 $0xFFFFE000  }
0x16e: {  	[hbm4b:s17+s2] =	stream.linear.scatter [tilespmem:s8], [sflag:$0x3], $0x2000, $0x38;
	[tilespmem:$0x10800] =	vst v63  }
0x16f: {  	_ =	swait.ge [sflag:s3], $0x2000  }
0x170: {  	[sflag:s3] =	ssyncset.done $0x0  }
0x171: {  	[sflag:s3] =	ssyncadd.s32 $0xFFFFE000  }
0x172: {  	[tilespmem:s9], [sflag:$0x1] =	stream.indirect.gather [hbm4b:s11+s14], $0x40, s20, s14, $0xb8;
	[tilespmem:$0x10800] =	vst v63  }
0x173: {  	_ =	swait.ge [sflag:s7], $0x2000  }
0x174: {  	[sflag:s7] =	ssyncset.done $0x0  }
0x175: {  	s20 =	rddreg [dreg:$0x9];
	[sflag:s7] =	ssyncadd.s32 $0xFFFFE000  }
0x176: {  	[hbm4b:s20+s2] =	stream.linear.scatter [tilespmem:s5], [sflag:$0x3], $0x2000, $0x38;
	[tilespmem:$0x10800] =	vst v63  }
0x177: {  	_ =	swait.ge [sflag:s3], $0x2000  }
0x178: {  	[sflag:s3] =	ssyncset.done $0x0  }
0x179: {  	[sflag:s3] =	ssyncadd.s32 $0xFFFFE000  }
0x17a: {  	[tilespmem:s8], [sflag:$0x2] =	stream.indirect.gather [hbm4b:s11+s14], $0x40, s19, s14, $0xb8;
	[tilespmem:$0x10800] =	vst v63  }
0x17b: {  	_ =	swait.ge [sflag:s6], $0x2000  }
0x17c: {  	[sflag:s6] =	ssyncset.done $0x0  }
0x17d: {  	s21 =	rddreg [dreg:$0xa];
	[sflag:s6] =	ssyncadd.s32 $0xFFFFE000  }
0x17e: {  	[hbm4b:s21+s2] =	stream.linear.scatter [tilespmem:s4], [sflag:$0x3], $0x2000, $0x38;
	[tilespmem:$0x10800] =	vst v63  }
0x17f: {  	_ =	swait.ge [sflag:s3], $0x2000  }
0x180: {  	[sflag:s3] =	ssyncset.done $0x0  }
0x181: {  	[sflag:s3] =	ssyncadd.s32 $0xFFFFE000  }
0x182: {  	[tilespmem:s5], [sflag:$0x1] =	stream.indirect.gather [hbm4b:s11+s14], $0x40, s18, s14, $0xb8;
	[tilespmem:$0x10800] =	vst v63  }
0x183: {  	_ =	swait.ge [sflag:s7], $0x2000  }
0x184: {  	[sflag:s7] =	ssyncset.done $0x0  }
0x185: {  	s22 =	rddreg [dreg:$0xb];
	[sflag:s7] =	ssyncadd.s32 $0xFFFFE000  }
0x186: {  	[hbm4b:s22+s2] =	stream.linear.scatter [tilespmem:s15], [sflag:$0x3], $0x2000, $0x38;
	[tilespmem:$0x10800] =	vst v63  }
0x187: {  	_ =	swait.ge [sflag:s3], $0x2000  }
0x188: {  	[sflag:s3] =	ssyncset.done $0x0  }
0x189: {  	[sflag:s3] =	ssyncadd.s32 $0xFFFFE000  }
0x18a: {  	[tilespmem:s4], [sflag:$0x2] =	stream.indirect.gather [hbm4b:s11+s14], $0x40, s16, s14, $0xb8;
	[tilespmem:$0x10800] =	vst v63  }
0x18b: {  	_ =	swait.ge [sflag:s6], $0x2000  }
0x18c: {  	[sflag:s6] =	ssyncset.done $0x0  }
0x18d: {  	s23 =	rddreg [dreg:$0xc];
	[sflag:s6] =	ssyncadd.s32 $0xFFFFE000  }
0x18e: {  	[hbm4b:s23+s2] =	stream.linear.scatter [tilespmem:s13], [sflag:$0x3], $0x2000, $0x38;
	[tilespmem:$0x10800] =	vst v63  }
0x18f: {  	_ =	swait.ge [sflag:s7], $0x2000  }
0x190: {  	[sflag:s7] =	ssyncset.done $0x0  }
0x191: {  	s24 =	rddreg [dreg:$0xd];
	[sflag:s7] =	ssyncadd.s32 $0xFFFFE000  }
0x192: {  	[hbm4b:s24+s2] =	stream.linear.scatter [tilespmem:s12], [sflag:$0x3], $0x2000, $0x38;
	[tilespmem:$0x10800] =	vst v63  }
0x193: {  	_ =	swait.ge [sflag:s6], $0x2000  }
0x194: {  	[sflag:s6] =	ssyncset.done $0x0  }
0x195: {  	s25 =	rddreg [dreg:$0xe];
	[sflag:s6] =	ssyncadd.s32 $0xFFFFE000  }
0x196: {  	[hbm4b:s25+s2] =	stream.linear.scatter [tilespmem:s10], [sflag:$0x3], $0x2000, $0x38;
	[tilespmem:$0x10800] =	vst v63  }
0x197: {  	_ =	swait.ge [sflag:s7], $0x2000  }
0x198: {  	[sflag:s7] =	ssyncset.done $0x0  }
0x199: {  	s26 =	rddreg [dreg:$0xf];
	[sflag:s7] =	ssyncadd.s32 $0xFFFFE000  }
0x19a: {  	[hbm4b:s26+s2] =	stream.linear.scatter [tilespmem:s9], [sflag:$0x3], $0x2000, $0x38;
	[tilespmem:$0x10800] =	vst v63  }
0x19b: {  	_ =	swait.ge [sflag:s6], $0x2000  }
0x19c: {  	[sflag:s6] =	ssyncset.done $0x0  }
0x19d: {  	s28 =	rddreg [dreg:$0x10];
	[sflag:s6] =	ssyncadd.s32 $0xFFFFE000  }
0x19e: {  	[hbm4b:s28+s2] =	stream.linear.scatter [tilespmem:s8], [sflag:$0x3], $0x2000, $0x38;
	[tilespmem:$0x10800] =	vst v63  }
0x19f: {  	_ =	swait.ge [sflag:s7], $0x2000  }
0x1a0: {  	[sflag:s7] =	ssyncset.done $0x0  }
0x1a1: {  	s29 =	rddreg [dreg:$0x11];
	[sflag:s7] =	ssyncadd.s32 $0xFFFFE000  }
0x1a2: {  	[hbm4b:s29+s2] =	stream.linear.scatter [tilespmem:s5], [sflag:$0x3], $0x2000, $0x38;
	[tilespmem:$0x10800] =	vst v63  }
0x1a3: {  	_ =	swait.ge [sflag:s6], $0x2000  }
0x1a4: {  	[sflag:s6] =	ssyncset.done $0x0  }
0x1a5: {  	s30 =	rddreg [dreg:$0x12];
	[sflag:s6] =	ssyncadd.s32 $0xFFFFE000  }
0x1a6: {  	[hbm4b:s30+s2] =	stream.linear.scatter [tilespmem:s4], [sflag:$0x3], $0x2000, $0x38;
	[tilespmem:$0x10800] =	vst v63  }
0x1a7: {  	_ =	swait.ge [sflag:s3], $0x2000  }
0x1a8: {  	[sflag:s3] =	ssyncset.done $0x0  }
0x1a9: {  	[sflag:s3] =	ssyncadd.s32 $0xFFFFE000  }
0x1aa: {  	_ =	swait.ge [sflag:s3], $0x2000  }
0x1ab: {  	[sflag:s3] =	ssyncset.done $0x0  }
0x1ac: {  	[sflag:s3] =	ssyncadd.s32 $0xFFFFE000  }
0x1ad: {  	_ =	swait.ge [sflag:s3], $0x2000  }
0x1ae: {  	[sflag:s3] =	ssyncset.done $0x0  }
0x1af: {  	[sflag:s3] =	ssyncadd.s32 $0xFFFFE000  }
0x1b0: {  	_ =	swait.ge [sflag:s3], $0x2000  }
0x1b1: {  	[sflag:s3] =	ssyncset.done $0x0  }
0x1b2: {  	[sflag:s3] =	ssyncadd.s32 $0xFFFFE000  }
0x1b3: {  	_ =	swait.ge [sflag:s3], $0x2000  }
0x1b4: {  	[sflag:s3] =	ssyncset.done $0x0  }
0x1b5: {  	[sflag:s3] =	ssyncadd.s32 $0xFFFFE000  }
0x1b6: {  	_ =	swait.ge [sflag:s3], $0x2000  }
0x1b7: {  	[sflag:s3] =	ssyncset.done $0x0  }
0x1b8: {  	[sflag:s3] =	ssyncadd.s32 $0xFFFFE000  }
0x1b9: {  	_ =	swait.ge [sflag:s3], $0x2000  }
0x1ba: {  	[sflag:s3] =	ssyncset.done $0x0  }
0x1bb: {  	[sflag:s3] =	ssyncadd.s32 $0xFFFFE000  }
0x1bc: {  	_ =	swait.ge [sflag:s3], $0x2000  }
0x1bd: {  	[sflag:s3] =	ssyncset.done $0x0  }
0x1be: {  	[sflag:s3] =	ssyncadd.s32 $0xFFFFE000  }
0x1bf: {  	_ =	sfence.sel $0x180000  }
0x1c0: {  	[bflag:$0x0] =	sbarrier.arrive $0xFFFF  }
0x1c1: {  	_ =	strace $0x90000047  }
0x1c2: {  	s31 =	stileid.u32;
	[bflag:$0x2] =	sbarrier.arrive $0xFFFF  }
0x1c3: {  	p0 =	sne.s32 s31, $0x0;
	s0 =	rddreg [dreg:$0x2]  }
0x1c4: {  	s0 =	sadd.s32 @!p0 $0x100000, s0  }
0x1c5: {  	[sflag:s0] =	ssyncadd.tile.s32 @!p0 $0x1;
	_ =	shalt  }
.Lfunc_end2:
_tile_overlayer_lowered:
.L_overlay_start_2:
0x1c6: {  	(tag) =	ssettag $0x2  }
0x1c7: {  	s0 =	rddreg [dreg:$0x0];
	s2 =	stileid.u32  }
0x1c8: {  	s1 =	rddreg [dreg:$0x1];
	p0 =	sne.s32 s2, $0x0  }
0x1c9: {  	s3 =	rddreg [dreg:$0x2];
	[bflag:$0x3] =	sbarrier.arrive $0xFFFF;
	s2 =	simm.s32 @!p0 $0x1C04  }
0x1ca: {  	[timem:s3], [sflag:s2] =	dma.local @!p0 [hbm:s0], s1  }
0x1cb: {  	s0 =	simm.s32 @!p0 $0x4  }
0x1cc: {  	_ =	swait.ge @!p0 [sflag:s0], s1  }
0x1cd: {  	s1 =	ssub.s32 @!p0 $0x0, s1;
	[sflag:s0] =	ssyncset.done @!p0 $0x0  }
0x1ce: {  	[sflag:s0] =	ssyncadd.s32 @!p0 s1  }
0x1cf: {  	[bflag:$0x3] =	sbarrier.arrive $0xFFFF  }
0x1d0: {  	_ =	shalt  }

</sc_bundles>
